<compile_context>
chip_gen: v7x
topology: tpu7x:2x2x1
jax: 0.10.2.dev20260603
libtpu: 0.0.44.dev20260713+nightly
codegen_flags: <defaults>
</compile_context>

<pallas_src>
import functools

import jax
import jax.numpy as jnp
from jax import lax
from jax.experimental import pallas as pl
from jax.experimental.pallas import tpu as pltpu
from jax.experimental.pallas import tpu_sc as plsc

E = 8
TOPK = 2
D = 1024
FF = 1024
T = 256

L = 16
NW = 32
CPW = (T * E) // (NW * L)

_NEG = -3.0e38


def _take(v, idx):
    return lax.gather(
        v, idx[:, None],
        dimension_numbers=lax.GatherDimensionNumbers(
            offset_dims=(), collapsed_slice_dims=(0,), start_index_map=(0,)),
        slice_sizes=(1,),
        mode=lax.GatherScatterMode.PROMISE_IN_BOUNDS)


def _seg_top(val, idx, lane):
    for sh in (4, 2, 1):
        pidx = lax.bitwise_xor(lane, sh)
        v2 = _take(val, pidx)
        i2 = _take(idx, pidx)
        gt = jnp.logical_or(v2 > val,
                            jnp.logical_and(v2 == val, i2 < idx))
        val = jnp.where(gt, v2, val)
        idx = jnp.where(gt, i2, idx)
    return val, idx


def _routing_combine_sc(gating_flat):
    mesh = plsc.VectorSubcoreMesh(core_axis_name="c", subcore_axis_name="s")

    @functools.partial(
        pl.kernel,
        mesh=mesh,
        out_type=jax.ShapeDtypeStruct((T * E,), jnp.float32),
        scratch_types=[
            pltpu.VMEM((CPW * L,), jnp.float32),
            pltpu.VMEM((CPW * L,), jnp.float32),
        ],
    )
    def k(gating_hbm, out_hbm, g_v, o_v):
        wid = lax.axis_index("s") * 2 + lax.axis_index("c")
        base = wid * (CPW * L)
        pltpu.sync_copy(gating_hbm.at[pl.ds(base, CPW * L)], g_v)
        lane = lax.iota(jnp.int32, L)
        eidx = lax.bitwise_and(lane, E - 1)
        for j in range(CPW):
            v = g_v[pl.ds(j * L, L)]
            m1, i1 = _seg_top(v, eidx, lane)
            vm = jnp.where(eidx == i1, jnp.full((L,), _NEG, jnp.float32), v)
            m2, i2 = _seg_top(vm, eidx, lane)
            w1 = 1.0 / (1.0 + jnp.exp(m2 - m1))
            w2 = 1.0 - w1
            zero = jnp.zeros((L,), jnp.float32)
            c = (jnp.where(eidx == i1, w1, zero)
                 + jnp.where(eidx == i2, w2, zero))
            o_v[pl.ds(j * L, L)] = c
        pltpu.sync_copy(o_v, out_hbm.at[pl.ds(base, CPW * L)])

    return k(gating_flat)


def _moe_body(x_ref, combine_ref, gu_ref, down_ref, out_ref):
    e = pl.program_id(0)
    nt = (((1,), (1,)), ((), ()))

    xb = x_ref[...].astype(jnp.bfloat16)
    gate_w = gu_ref[0, :FF].astype(jnp.bfloat16)
    up_w = gu_ref[0, FF:].astype(jnp.bfloat16)
    gg = lax.dot_general(xb, gate_w, nt, preferred_element_type=jnp.float32)
    uu = lax.dot_general(xb, up_w, nt, preferred_element_type=jnp.float32)
    h = gg * jax.nn.sigmoid(gg) * uu
    down_w = down_ref[0].astype(jnp.bfloat16)
    yb = lax.dot_general(h.astype(jnp.bfloat16), down_w, nt,
                         preferred_element_type=jnp.float32)

    cm = combine_ref[...]
    sel = lax.broadcasted_iota(jnp.int32, cm.shape, 1) == e
    col = jnp.sum(jnp.where(sel, cm, 0.0), axis=1, keepdims=True)
    contrib = yb * col

    @pl.when(e == 0)
    def _():
        out_ref[...] = contrib

    @pl.when(e != 0)
    def _():
        out_ref[...] += contrib


@jax.jit
def kernel(x, gating_output, gate_up_proj, down_proj):
    combine = _routing_combine_sc(gating_output.reshape(-1)).reshape(T, E)
    out = pl.pallas_call(
        _moe_body,
        grid=(E,),
        in_specs=[
            pl.BlockSpec((T, D), lambda e: (0, 0)),
            pl.BlockSpec((T, E), lambda e: (0, 0)),
            pl.BlockSpec((1, 2 * FF, D), lambda e: (e, 0, 0)),
            pl.BlockSpec((1, D, FF), lambda e: (e, 0, 0)),
        ],
        out_specs=pl.BlockSpec((T, D), lambda e: (0, 0)),
        out_shape=jax.ShapeDtypeStruct((T, D), jnp.float32),
    )(x, combine, gate_up_proj, down_proj)
    return out

# --- scband reference (transcript-rebuilt; emitter-appended) ---
"""Pipeline reference for scband-unquantized-mo-elayer-31610959299085 (READ-ONLY COPY).

The authoritative reference and input builder live on the scoring server;
editing this copy changes nothing except your own understanding.
"""

import jax, jax.numpy as jnp
import numpy as np

E = 8
TOPK = 2
D = 1024
FF = 1024
T = 256
RENORMALIZE = True


def setup_inputs(seed: int = 0) -> dict:
    key = jax.random.key(seed)
    k1, k2, k3, k4 = jax.random.split(key, 4)
    x = jax.random.normal(k1, (T, D), dtype=jnp.float32)
    gating_output = jax.random.normal(k2, (T, E), dtype=jnp.float32)
    # fused gate+up projection, concatenated along the output-feature dim (dim=1 per expert)
    gate_up_proj = jax.random.normal(k3, (E, 2 * FF, D), dtype=jnp.float32) * 0.02
    down_proj = jax.random.normal(k4, (E, D, FF), dtype=jnp.float32) * 0.02
    return {"x": x, "gating_output": gating_output, "gate_up_proj": gate_up_proj, "down_proj": down_proj}


def reference(x, gating_output, gate_up_proj, down_proj):
    # fused_moe semantics (use_grouped_topk=False):
    # softmax over experts, top-k selection, optional renormalization of the
    # selected weights, SwiGLU expert MLPs, weighted combine.
    n_tok = x.shape[0]
    probs = jax.nn.softmax(gating_output.astype(jnp.float32), axis=-1)
    topk_w, topk_ids = jax.lax.top_k(probs, TOPK)  # [T, K]
    if RENORMALIZE:
        topk_w = topk_w / jnp.sum(topk_w, axis=-1, keepdims=True)
    # dense combine matrix [T, E] (scatter of top-k weights; SparseCore scatter-add)
    combine = jnp.zeros((n_tok, E), dtype=jnp.float32)
    combine = combine.at[jnp.arange(n_tok)[:, None], topk_ids].add(topk_w)
    # expert MLPs (computed densely; combine zeros out non-routed experts, same math)
    gate_up = jnp.einsum('td,efd->tef', x, gate_up_proj)  # [T, E, 2*FF]
    gate, up = jnp.split(gate_up, 2, axis=-1)
    h = jax.nn.silu(gate) * up  # [T, E, FF]
    y = jnp.einsum('tef,edf->ted', h, down_proj)  # [T, E, D]
    out = jnp.einsum('ted,te->td', y, combine)
    return out

if __name__ == "__main__":
    import jax
    _d = setup_inputs()
    print(jax.jit(kernel)(*tuple(_d.values())))

</pallas_src>

<mosaic_0001>
#map = affine_map<(d0, d1) -> (0)>
module attributes {stable_mosaic.version = 14 : i64} {
  func.func @k(%arg0: i32, %arg1: i32, %arg2: memref<2048xf32, #tpu.memory_space<hbm>>, %arg3: memref<2048xf32, #tpu.memory_space<hbm>>, %arg4: memref<64xf32, #tpu.memory_space<vmem>>, %arg5: memref<64xf32, #tpu.memory_space<vmem>>) attributes {dimension_semantics = [#tpu.dimension_semantics<core_parallel>, #tpu.dimension_semantics<subcore_parallel>], iteration_bounds = array<i64: 2, 16>, scalar_prefetch = 0 : i64, scratch_operands = 2 : i64, tpu.core_type = #tpu.core_type<sc_vector_subcore>, window_params = [{transform_indices = #map}, {transform_indices = #map}]} {
    %mul3A = arith.constant 2 : i32
    %mul3A_0 = arith.muli %arg1, %mul3A : i32
    %add3A = arith.addi %mul3A_0, %arg0 : i32
    %mul3A_1 = arith.constant 64 : i32
    %mul3A_2 = arith.muli %add3A, %mul3A_1 : i32
    "tpu.region"() ({
      %run_scoped3A = tpu.sem_alloc : memref<!tpu.dma_semaphore, #tpu.memory_space<semaphore_mem>>
      %dma_start3A = tpu.memref_slice %arg2[%mul3A_2] : memref<2048xf32, #tpu.memory_space<hbm>> -> memref<64xf32, #tpu.memory_space<hbm>>
      %dma_start3A_492 = tpu.memref_slice %arg2[%mul3A_2] : memref<2048xf32, #tpu.memory_space<hbm>> -> memref<64xf32, #tpu.memory_space<hbm>>
      tpu.enqueue_dma source(%dma_start3A_492 : memref<64xf32, #tpu.memory_space<hbm>>) target(%arg4 : memref<64xf32, #tpu.memory_space<vmem>>) target_semaphore(%run_scoped3A : memref<!tpu.dma_semaphore, #tpu.memory_space<semaphore_mem>>)
      %dma_wait3A = tpu.memref_slice %arg2[%mul3A_2] : memref<2048xf32, #tpu.memory_space<hbm>> -> memref<64xf32, #tpu.memory_space<hbm>>
      %dma_wait3A_493 = tpu.memref_slice %arg2[%mul3A_2] : memref<2048xf32, #tpu.memory_space<hbm>> -> memref<64xf32, #tpu.memory_space<hbm>>
      tpu.wait_dma2 semaphore(%run_scoped3A : memref<!tpu.dma_semaphore, #tpu.memory_space<semaphore_mem>>) src(%dma_wait3A_493 : memref<64xf32, #tpu.memory_space<hbm>>) dst(%arg4 : memref<64xf32, #tpu.memory_space<vmem>>)
      tpu.yield
    }) : () -> ()
    %iota3A = tpu.iota {dimensions = array<i32: 0>} : vector<16xi32>
    %and3A = arith.constant 7 : i32
    %and3A_3 = vector.broadcast %and3A : i32 to vector<16xi32>
    %and3A_4 = arith.andi %iota3A, %and3A_3 : vector<16xi32>
    %get3A = arith.constant 0 : index
    %get3A_5 = tpu.vector_load %arg4[%get3A] {strides = array<i32>} : memref<64xf32, #tpu.memory_space<vmem>>, vector<16xf32>,
    %get3A_6 = vector.shape_cast %get3A_5 : vector<16xf32> to vector<16xf32>
    %xor3A = arith.constant 4 : i32
    %xor3A_7 = vector.broadcast %xor3A : i32 to vector<16xi32>
    %xor3A_8 = arith.xori %iota3A, %xor3A_7 : vector<16xi32>
    %broadcast_in_dim3A = vector.shape_cast %xor3A_8 : vector<16xi32> to vector<16x1xi32>
    %gather3A = vector.shape_cast %broadcast_in_dim3A : vector<16x1xi32> to vector<16xi32>
    %gather3A_9 = tpu.dynamic_gather %get3A_6[%gather3A] in [0] : vector<16xf32>, vector<16xi32> -> vector<16xf32>
    %broadcast_in_dim3A_10 = vector.shape_cast %xor3A_8 : vector<16xi32> to vector<16x1xi32>
    %gather3A_11 = vector.shape_cast %broadcast_in_dim3A_10 : vector<16x1xi32> to vector<16xi32>
    %gather3A_12 = tpu.dynamic_gather %and3A_4[%gather3A_11] in [0] : vector<16xi32>, vector<16xi32> -> vector<16xi32>
    %gt3A = arith.cmpf ogt, %gather3A_9, %get3A_6 : vector<16xf32>
    %eq3A = arith.cmpf oeq, %gather3A_9, %get3A_6 : vector<16xf32>
    %lt3A = arith.cmpi slt, %gather3A_12, %and3A_4 : vector<16xi32>
    %and3A_13 = arith.andi %eq3A, %lt3A : vector<16xi1>
    %or3A = arith.ori %gt3A, %and3A_13 : vector<16xi1>
    %select_n3A = arith.select %or3A, %gather3A_9, %get3A_6 : vector<16xi1>, vector<16xf32>
    %select_n3A_14 = arith.select %or3A, %gather3A_12, %and3A_4 : vector<16xi1>, vector<16xi32>
    %xor3A_15 = arith.constant 2 : i32
    %xor3A_16 = vector.broadcast %xor3A_15 : i32 to vector<16xi32>
    %xor3A_17 = arith.xori %iota3A, %xor3A_16 : vector<16xi32>
    %broadcast_in_dim3A_18 = vector.shape_cast %xor3A_17 : vector<16xi32> to vector<16x1xi32>
    %gather3A_19 = vector.shape_cast %broadcast_in_dim3A_18 : vector<16x1xi32> to vector<16xi32>
    %gather3A_20 = tpu.dynamic_gather %select_n3A[%gather3A_19] in [0] : vector<16xf32>, vector<16xi32> -> vector<16xf32>
    %broadcast_in_dim3A_21 = vector.shape_cast %xor3A_17 : vector<16xi32> to vector<16x1xi32>
    %gather3A_22 = vector.shape_cast %broadcast_in_dim3A_21 : vector<16x1xi32> to vector<16xi32>
    %gather3A_23 = tpu.dynamic_gather %select_n3A_14[%gather3A_22] in [0] : vector<16xi32>, vector<16xi32> -> vector<16xi32>
    %gt3A_24 = arith.cmpf ogt, %gather3A_20, %select_n3A : vector<16xf32>
    %eq3A_25 = arith.cmpf oeq, %gather3A_20, %select_n3A : vector<16xf32>
    %lt3A_26 = arith.cmpi slt, %gather3A_23, %select_n3A_14 : vector<16xi32>
    %and3A_27 = arith.andi %eq3A_25, %lt3A_26 : vector<16xi1>
    %or3A_28 = arith.ori %gt3A_24, %and3A_27 : vector<16xi1>
    %select_n3A_29 = arith.select %or3A_28, %gather3A_20, %select_n3A : vector<16xi1>, vector<16xf32>
    %select_n3A_30 = arith.select %or3A_28, %gather3A_23, %select_n3A_14 : vector<16xi1>, vector<16xi32>
    %xor3A_31 = arith.constant 1 : i32
    %xor3A_32 = vector.broadcast %xor3A_31 : i32 to vector<16xi32>
    %xor3A_33 = arith.xori %iota3A, %xor3A_32 : vector<16xi32>
    %broadcast_in_dim3A_34 = vector.shape_cast %xor3A_33 : vector<16xi32> to vector<16x1xi32>
    %gather3A_35 = vector.shape_cast %broadcast_in_dim3A_34 : vector<16x1xi32> to vector<16xi32>
    %gather3A_36 = tpu.dynamic_gather %select_n3A_29[%gather3A_35] in [0] : vector<16xf32>, vector<16xi32> -> vector<16xf32>
    %broadcast_in_dim3A_37 = vector.shape_cast %xor3A_33 : vector<16xi32> to vector<16x1xi32>
    %gather3A_38 = vector.shape_cast %broadcast_in_dim3A_37 : vector<16x1xi32> to vector<16xi32>
    %gather3A_39 = tpu.dynamic_gather %select_n3A_30[%gather3A_38] in [0] : vector<16xi32>, vector<16xi32> -> vector<16xi32>
    %gt3A_40 = arith.cmpf ogt, %gather3A_36, %select_n3A_29 : vector<16xf32>
    %eq3A_41 = arith.cmpf oeq, %gather3A_36, %select_n3A_29 : vector<16xf32>
    %lt3A_42 = arith.cmpi slt, %gather3A_39, %select_n3A_30 : vector<16xi32>
    %and3A_43 = arith.andi %eq3A_41, %lt3A_42 : vector<16xi1>
    %or3A_44 = arith.ori %gt3A_40, %and3A_43 : vector<16xi1>
    %select_n3A_45 = arith.select %or3A_44, %gather3A_36, %select_n3A_29 : vector<16xi1>, vector<16xf32>
    %select_n3A_46 = arith.select %or3A_44, %gather3A_39, %select_n3A_30 : vector<16xi1>, vector<16xi32>
    %eq3A_47 = arith.cmpi eq, %and3A_4, %select_n3A_46 : vector<16xi32>
    %broadcast_in_dim3A_48 = arith.constant -3.000000e+38 : f32
    %broadcast_in_dim3A_49 = vector.broadcast %broadcast_in_dim3A_48 : f32 to vector<16xf32>
    %select_n3A_50 = arith.select %eq3A_47, %broadcast_in_dim3A_49, %get3A_6 : vector<16xi1>, vector<16xf32>
    %xor3A_51 = arith.constant 4 : i32
    %xor3A_52 = vector.broadcast %xor3A_51 : i32 to vector<16xi32>
    %xor3A_53 = arith.xori %iota3A, %xor3A_52 : vector<16xi32>
    %broadcast_in_dim3A_54 = vector.shape_cast %xor3A_53 : vector<16xi32> to vector<16x1xi32>
    %gather3A_55 = vector.shape_cast %broadcast_in_dim3A_54 : vector<16x1xi32> to vector<16xi32>
    %gather3A_56 = tpu.dynamic_gather %select_n3A_50[%gather3A_55] in [0] : vector<16xf32>, vector<16xi32> -> vector<16xf32>
    %broadcast_in_dim3A_57 = vector.shape_cast %xor3A_53 : vector<16xi32> to vector<16x1xi32>
    %gather3A_58 = vector.shape_cast %broadcast_in_dim3A_57 : vector<16x1xi32> to vector<16xi32>
    %gather3A_59 = tpu.dynamic_gather %and3A_4[%gather3A_58] in [0] : vector<16xi32>, vector<16xi32> -> vector<16xi32>
    %gt3A_60 = arith.cmpf ogt, %gather3A_56, %select_n3A_50 : vector<16xf32>
    %eq3A_61 = arith.cmpf oeq, %gather3A_56, %select_n3A_50 : vector<16xf32>
    %lt3A_62 = arith.cmpi slt, %gather3A_59, %and3A_4 : vector<16xi32>
    %and3A_63 = arith.andi %eq3A_61, %lt3A_62 : vector<16xi1>
    %or3A_64 = arith.ori %gt3A_60, %and3A_63 : vector<16xi1>
    %select_n3A_65 = arith.select %or3A_64, %gather3A_56, %select_n3A_50 : vector<16xi1>, vector<16xf32>
    %select_n3A_66 = arith.select %or3A_64, %gather3A_59, %and3A_4 : vector<16xi1>, vector<16xi32>
    %xor3A_67 = arith.constant 2 : i32
    %xor3A_68 = vector.broadcast %xor3A_67 : i32 to vector<16xi32>
    %xor3A_69 = arith.xori %iota3A, %xor3A_68 : vector<16xi32>
    %broadcast_in_dim3A_70 = vector.shape_cast %xor3A_69 : vector<16xi32> to vector<16x1xi32>
    %gather3A_71 = vector.shape_cast %broadcast_in_dim3A_70 : vector<16x1xi32> to vector<16xi32>
    %gather3A_72 = tpu.dynamic_gather %select_n3A_65[%gather3A_71] in [0] : vector<16xf32>, vector<16xi32> -> vector<16xf32>
    %broadcast_in_dim3A_73 = vector.shape_cast %xor3A_69 : vector<16xi32> to vector<16x1xi32>
    %gather3A_74 = vector.shape_cast %broadcast_in_dim3A_73 : vector<16x1xi32> to vector<16xi32>
    %gather3A_75 = tpu.dynamic_gather %select_n3A_66[%gather3A_74] in [0] : vector<16xi32>, vector<16xi32> -> vector<16xi32>
    %gt3A_76 = arith.cmpf ogt, %gather3A_72, %select_n3A_65 : vector<16xf32>
    %eq3A_77 = arith.cmpf oeq, %gather3A_72, %select_n3A_65 : vector<16xf32>
    %lt3A_78 = arith.cmpi slt, %gather3A_75, %select_n3A_66 : vector<16xi32>
    %and3A_79 = arith.andi %eq3A_77, %lt3A_78 : vector<16xi1>
    %or3A_80 = arith.ori %gt3A_76, %and3A_79 : vector<16xi1>
    %select_n3A_81 = arith.select %or3A_80, %gather3A_72, %select_n3A_65 : vector<16xi1>, vector<16xf32>
    %select_n3A_82 = arith.select %or3A_80, %gather3A_75, %select_n3A_66 : vector<16xi1>, vector<16xi32>
    %xor3A_83 = arith.constant 1 : i32
    %xor3A_84 = vector.broadcast %xor3A_83 : i32 to vector<16xi32>
    %xor3A_85 = arith.xori %iota3A, %xor3A_84 : vector<16xi32>
    %broadcast_in_dim3A_86 = vector.shape_cast %xor3A_85 : vector<16xi32> to vector<16x1xi32>
    %gather3A_87 = vector.shape_cast %broadcast_in_dim3A_86 : vector<16x1xi32> to vector<16xi32>
    %gather3A_88 = tpu.dynamic_gather %select_n3A_81[%gather3A_87] in [0] : vector<16xf32>, vector<16xi32> -> vector<16xf32>
    %broadcast_in_dim3A_89 = vector.shape_cast %xor3A_85 : vector<16xi32> to vector<16x1xi32>
    %gather3A_90 = vector.shape_cast %broadcast_in_dim3A_89 : vector<16x1xi32> to vector<16xi32>
    %gather3A_91 = tpu.dynamic_gather %select_n3A_82[%gather3A_90] in [0] : vector<16xi32>, vector<16xi32> -> vector<16xi32>
    %gt3A_92 = arith.cmpf ogt, %gather3A_88, %select_n3A_81 : vector<16xf32>
    %eq3A_93 = arith.cmpf oeq, %gather3A_88, %select_n3A_81 : vector<16xf32>
    %lt3A_94 = arith.cmpi slt, %gather3A_91, %select_n3A_82 : vector<16xi32>
    %and3A_95 = arith.andi %eq3A_93, %lt3A_94 : vector<16xi1>
    %or3A_96 = arith.ori %gt3A_92, %and3A_95 : vector<16xi1>
    %select_n3A_97 = arith.select %or3A_96, %gather3A_88, %select_n3A_81 : vector<16xi1>, vector<16xf32>
    %select_n3A_98 = arith.select %or3A_96, %gather3A_91, %select_n3A_82 : vector<16xi1>, vector<16xi32>
    %sub3A = arith.subf %select_n3A_97, %select_n3A_45 : vector<16xf32>
    %exp3A = math.exp %sub3A : vector<16xf32>
    %add3A_99 = arith.constant 1.000000e+00 : f32
    %add3A_100 = vector.broadcast %add3A_99 : f32 to vector<16xf32>
    %add3A_101 = arith.addf %add3A_100, %exp3A : vector<16xf32>
    %div3A = arith.constant 1.000000e+00 : f32
    %div3A_102 = vector.broadcast %div3A : f32 to vector<16xf32>
    %div3A_103 = arith.divf %div3A_102, %add3A_101 : vector<16xf32>
    %sub3A_104 = arith.constant 1.000000e+00 : f32
    %sub3A_105 = vector.broadcast %sub3A_104 : f32 to vector<16xf32>
    %sub3A_106 = arith.subf %sub3A_105, %div3A_103 : vector<16xf32>
    %broadcast_in_dim3A_107 = arith.constant 0.000000e+00 : f32
    %broadcast_in_dim3A_108 = vector.broadcast %broadcast_in_dim3A_107 : f32 to vector<16xf32>
    %eq3A_109 = arith.cmpi eq, %and3A_4, %select_n3A_46 : vector<16xi32>
    %select_n3A_110 = arith.select %eq3A_109, %div3A_103, %broadcast_in_dim3A_108 : vector<16xi1>, vector<16xf32>
    %eq3A_111 = arith.cmpi eq, %and3A_4, %select_n3A_98 : vector<16xi32>
    %select_n3A_112 = arith.select %eq3A_111, %sub3A_106, %broadcast_in_dim3A_108 : vector<16xi1>, vector<16xf32>
    %add3A_113 = arith.addf %select_n3A_110, %select_n3A_112 : vector<16xf32>
    %swap3A = arith.constant 0 : index
    %swap3A_114 = tpu.vector_load %arg5[%swap3A] {strides = array<i32>} : memref<64xf32, #tpu.memory_space<vmem>>, vector<16xf32>,
    %swap3A_115 = vector.shape_cast %swap3A_114 : vector<16xf32> to vector<16xf32>
    %swap3A_116 = vector.shape_cast %add3A_113 : vector<16xf32> to vector<16xf32>
    tpu.vector_store %arg5[%swap3A], %swap3A_116 {strides = array<i32>} : memref<64xf32, #tpu.memory_space<vmem>>, vector<16xf32>,
    %get3A_117 = arith.constant 16 : index
    %get3A_118 = tpu.vector_load %arg4[%get3A_117] {strides = array<i32>} : memref<64xf32, #tpu.memory_space<vmem>>, vector<16xf32>,
    %get3A_119 = vector.shape_cast %get3A_118 : vector<16xf32> to vector<16xf32>
    %xor3A_120 = arith.constant 4 : i32
    %xor3A_121 = vector.broadcast %xor3A_120 : i32 to vector<16xi32>
    %xor3A_122 = arith.xori %iota3A, %xor3A_121 : vector<16xi32>
    %broadcast_in_dim3A_123 = vector.shape_cast %xor3A_122 : vector<16xi32> to vector<16x1xi32>
    %gather3A_124 = vector.shape_cast %broadcast_in_dim3A_123 : vector<16x1xi32> to vector<16xi32>
    %gather3A_125 = tpu.dynamic_gather %get3A_119[%gather3A_124] in [0] : vector<16xf32>, vector<16xi32> -> vector<16xf32>
    %broadcast_in_dim3A_126 = vector.shape_cast %xor3A_122 : vector<16xi32> to vector<16x1xi32>
    %gather3A_127 = vector.shape_cast %broadcast_in_dim3A_126 : vector<16x1xi32> to vector<16xi32>
    %gather3A_128 = tpu.dynamic_gather %and3A_4[%gather3A_127] in [0] : vector<16xi32>, vector<16xi32> -> vector<16xi32>
    %gt3A_129 = arith.cmpf ogt, %gather3A_125, %get3A_119 : vector<16xf32>
    %eq3A_130 = arith.cmpf oeq, %gather3A_125, %get3A_119 : vector<16xf32>
    %lt3A_131 = arith.cmpi slt, %gather3A_128, %and3A_4 : vector<16xi32>
    %and3A_132 = arith.andi %eq3A_130, %lt3A_131 : vector<16xi1>
    %or3A_133 = arith.ori %gt3A_129, %and3A_132 : vector<16xi1>
    %select_n3A_134 = arith.select %or3A_133, %gather3A_125, %get3A_119 : vector<16xi1>, vector<16xf32>
    %select_n3A_135 = arith.select %or3A_133, %gather3A_128, %and3A_4 : vector<16xi1>, vector<16xi32>
    %xor3A_136 = arith.constant 2 : i32
    %xor3A_137 = vector.broadcast %xor3A_136 : i32 to vector<16xi32>
    %xor3A_138 = arith.xori %iota3A, %xor3A_137 : vector<16xi32>
    %broadcast_in_dim3A_139 = vector.shape_cast %xor3A_138 : vector<16xi32> to vector<16x1xi32>
    %gather3A_140 = vector.shape_cast %broadcast_in_dim3A_139 : vector<16x1xi32> to vector<16xi32>
    %gather3A_141 = tpu.dynamic_gather %select_n3A_134[%gather3A_140] in [0] : vector<16xf32>, vector<16xi32> -> vector<16xf32>
    %broadcast_in_dim3A_142 = vector.shape_cast %xor3A_138 : vector<16xi32> to vector<16x1xi32>
    %gather3A_143 = vector.shape_cast %broadcast_in_dim3A_142 : vector<16x1xi32> to vector<16xi32>
    %gather3A_144 = tpu.dynamic_gather %select_n3A_135[%gather3A_143] in [0] : vector<16xi32>, vector<16xi32> -> vector<16xi32>
    %gt3A_145 = arith.cmpf ogt, %gather3A_141, %select_n3A_134 : vector<16xf32>
    %eq3A_146 = arith.cmpf oeq, %gather3A_141, %select_n3A_134 : vector<16xf32>
    %lt3A_147 = arith.cmpi slt, %gather3A_144, %select_n3A_135 : vector<16xi32>
    %and3A_148 = arith.andi %eq3A_146, %lt3A_147 : vector<16xi1>
    %or3A_149 = arith.ori %gt3A_145, %and3A_148 : vector<16xi1>
    %select_n3A_150 = arith.select %or3A_149, %gather3A_141, %select_n3A_134 : vector<16xi1>, vector<16xf32>
    %select_n3A_151 = arith.select %or3A_149, %gather3A_144, %select_n3A_135 : vector<16xi1>, vector<16xi32>
    %xor3A_152 = arith.constant 1 : i32
    %xor3A_153 = vector.broadcast %xor3A_152 : i32 to vector<16xi32>
    %xor3A_154 = arith.xori %iota3A, %xor3A_153 : vector<16xi32>
    %broadcast_in_dim3A_155 = vector.shape_cast %xor3A_154 : vector<16xi32> to vector<16x1xi32>
    %gather3A_156 = vector.shape_cast %broadcast_in_dim3A_155 : vector<16x1xi32> to vector<16xi32>
    %gather3A_157 = tpu.dynamic_gather %select_n3A_150[%gather3A_156] in [0] : vector<16xf32>, vector<16xi32> -> vector<16xf32>
    %broadcast_in_dim3A_158 = vector.shape_cast %xor3A_154 : vector<16xi32> to vector<16x1xi32>
    %gather3A_159 = vector.shape_cast %broadcast_in_dim3A_158 : vector<16x1xi32> to vector<16xi32>
    %gather3A_160 = tpu.dynamic_gather %select_n3A_151[%gather3A_159] in [0] : vector<16xi32>, vector<16xi32> -> vector<16xi32>
    %gt3A_161 = arith.cmpf ogt, %gather3A_157, %select_n3A_150 : vector<16xf32>
    %eq3A_162 = arith.cmpf oeq, %gather3A_157, %select_n3A_150 : vector<16xf32>
    %lt3A_163 = arith.cmpi slt, %gather3A_160, %select_n3A_151 : vector<16xi32>
    %and3A_164 = arith.andi %eq3A_162, %lt3A_163 : vector<16xi1>
    %or3A_165 = arith.ori %gt3A_161, %and3A_164 : vector<16xi1>
    %select_n3A_166 = arith.select %or3A_165, %gather3A_157, %select_n3A_150 : vector<16xi1>, vector<16xf32>
    %select_n3A_167 = arith.select %or3A_165, %gather3A_160, %select_n3A_151 : vector<16xi1>, vector<16xi32>
    %eq3A_168 = arith.cmpi eq, %and3A_4, %select_n3A_167 : vector<16xi32>
    %broadcast_in_dim3A_169 = arith.constant -3.000000e+38 : f32
    %broadcast_in_dim3A_170 = vector.broadcast %broadcast_in_dim3A_169 : f32 to vector<16xf32>
    %select_n3A_171 = arith.select %eq3A_168, %broadcast_in_dim3A_170, %get3A_119 : vector<16xi1>, vector<16xf32>
    %xor3A_172 = arith.constant 4 : i32
    %xor3A_173 = vector.broadcast %xor3A_172 : i32 to vector<16xi32>
    %xor3A_174 = arith.xori %iota3A, %xor3A_173 : vector<16xi32>
    %broadcast_in_dim3A_175 = vector.shape_cast %xor3A_174 : vector<16xi32> to vector<16x1xi32>
    %gather3A_176 = vector.shape_cast %broadcast_in_dim3A_175 : vector<16x1xi32> to vector<16xi32>
    %gather3A_177 = tpu.dynamic_gather %select_n3A_171[%gather3A_176] in [0] : vector<16xf32>, vector<16xi32> -> vector<16xf32>
    %broadcast_in_dim3A_178 = vector.shape_cast %xor3A_174 : vector<16xi32> to vector<16x1xi32>
    %gather3A_179 = vector.shape_cast %broadcast_in_dim3A_178 : vector<16x1xi32> to vector<16xi32>
    %gather3A_180 = tpu.dynamic_gather %and3A_4[%gather3A_179] in [0] : vector<16xi32>, vector<16xi32> -> vector<16xi32>
    %gt3A_181 = arith.cmpf ogt, %gather3A_177, %select_n3A_171 : vector<16xf32>
    %eq3A_182 = arith.cmpf oeq, %gather3A_177, %select_n3A_171 : vector<16xf32>
    %lt3A_183 = arith.cmpi slt, %gather3A_180, %and3A_4 : vector<16xi32>
    %and3A_184 = arith.andi %eq3A_182, %lt3A_183 : vector<16xi1>
    %or3A_185 = arith.ori %gt3A_181, %and3A_184 : vector<16xi1>
    %select_n3A_186 = arith.select %or3A_185, %gather3A_177, %select_n3A_171 : vector<16xi1>, vector<16xf32>
    %select_n3A_187 = arith.select %or3A_185, %gather3A_180, %and3A_4 : vector<16xi1>, vector<16xi32>
    %xor3A_188 = arith.constant 2 : i32
    %xor3A_189 = vector.broadcast %xor3A_188 : i32 to vector<16xi32>
    %xor3A_190 = arith.xori %iota3A, %xor3A_189 : vector<16xi32>
    %broadcast_in_dim3A_191 = vector.shape_cast %xor3A_190 : vector<16xi32> to vector<16x1xi32>
    %gather3A_192 = vector.shape_cast %broadcast_in_dim3A_191 : vector<16x1xi32> to vector<16xi32>
    %gather3A_193 = tpu.dynamic_gather %select_n3A_186[%gather3A_192] in [0] : vector<16xf32>, vector<16xi32> -> vector<16xf32>
    %broadcast_in_dim3A_194 = vector.shape_cast %xor3A_190 : vector<16xi32> to vector<16x1xi32>
    %gather3A_195 = vector.shape_cast %broadcast_in_dim3A_194 : vector<16x1xi32> to vector<16xi32>
    %gather3A_196 = tpu.dynamic_gather %select_n3A_187[%gather3A_195] in [0] : vector<16xi32>, vector<16xi32> -> vector<16xi32>
    %gt3A_197 = arith.cmpf ogt, %gather3A_193, %select_n3A_186 : vector<16xf32>
    %eq3A_198 = arith.cmpf oeq, %gather3A_193, %select_n3A_186 : vector<16xf32>
    %lt3A_199 = arith.cmpi slt, %gather3A_196, %select_n3A_187 : vector<16xi32>
    %and3A_200 = arith.andi %eq3A_198, %lt3A_199 : vector<16xi1>
    %or3A_201 = arith.ori %gt3A_197, %and3A_200 : vector<16xi1>
    %select_n3A_202 = arith.select %or3A_201, %gather3A_193, %select_n3A_186 : vector<16xi1>, vector<16xf32>
    %select_n3A_203 = arith.select %or3A_201, %gather3A_196, %select_n3A_187 : vector<16xi1>, vector<16xi32>
    %xor3A_204 = arith.constant 1 : i32
    %xor3A_205 = vector.broadcast %xor3A_204 : i32 to vector<16xi32>
    %xor3A_206 = arith.xori %iota3A, %xor3A_205 : vector<16xi32>
    %broadcast_in_dim3A_207 = vector.shape_cast %xor3A_206 : vector<16xi32> to vector<16x1xi32>
    %gather3A_208 = vector.shape_cast %broadcast_in_dim3A_207 : vector<16x1xi32> to vector<16xi32>
    %gather3A_209 = tpu.dynamic_gather %select_n3A_202[%gather3A_208] in [0] : vector<16xf32>, vector<16xi32> -> vector<16xf32>
    %broadcast_in_dim3A_210 = vector.shape_cast %xor3A_206 : vector<16xi32> to vector<16x1xi32>
    %gather3A_211 = vector.shape_cast %broadcast_in_dim3A_210 : vector<16x1xi32> to vector<16xi32>
    %gather3A_212 = tpu.dynamic_gather %select_n3A_203[%gather3A_211] in [0] : vector<16xi32>, vector<16xi32> -> vector<16xi32>
    %gt3A_213 = arith.cmpf ogt, %gather3A_209, %select_n3A_202 : vector<16xf32>
    %eq3A_214 = arith.cmpf oeq, %gather3A_209, %select_n3A_202 : vector<16xf32>
    %lt3A_215 = arith.cmpi slt, %gather3A_212, %select_n3A_203 : vector<16xi32>
    %and3A_216 = arith.andi %eq3A_214, %lt3A_215 : vector<16xi1>
    %or3A_217 = arith.ori %gt3A_213, %and3A_216 : vector<16xi1>
    %select_n3A_218 = arith.select %or3A_217, %gather3A_209, %select_n3A_202 : vector<16xi1>, vector<16xf32>
    %select_n3A_219 = arith.select %or3A_217, %gather3A_212, %select_n3A_203 : vector<16xi1>, vector<16xi32>
    %sub3A_220 = arith.subf %select_n3A_218, %select_n3A_166 : vector<16xf32>
    %exp3A_221 = math.exp %sub3A_220 : vector<16xf32>
    %add3A_222 = arith.constant 1.000000e+00 : f32
    %add3A_223 = vector.broadcast %add3A_222 : f32 to vector<16xf32>
    %add3A_224 = arith.addf %add3A_223, %exp3A_221 : vector<16xf32>
    %div3A_225 = arith.constant 1.000000e+00 : f32
    %div3A_226 = vector.broadcast %div3A_225 : f32 to vector<16xf32>
    %div3A_227 = arith.divf %div3A_226, %add3A_224 : vector<16xf32>
    %sub3A_228 = arith.constant 1.000000e+00 : f32
    %sub3A_229 = vector.broadcast %sub3A_228 : f32 to vector<16xf32>
    %sub3A_230 = arith.subf %sub3A_229, %div3A_227 : vector<16xf32>
    %broadcast_in_dim3A_231 = arith.constant 0.000000e+00 : f32
    %broadcast_in_dim3A_232 = vector.broadcast %broadcast_in_dim3A_231 : f32 to vector<16xf32>
    %eq3A_233 = arith.cmpi eq, %and3A_4, %select_n3A_167 : vector<16xi32>
    %select_n3A_234 = arith.select %eq3A_233, %div3A_227, %broadcast_in_dim3A_232 : vector<16xi1>, vector<16xf32>
    %eq3A_235 = arith.cmpi eq, %and3A_4, %select_n3A_219 : vector<16xi32>
    %select_n3A_236 = arith.select %eq3A_235, %sub3A_230, %broadcast_in_dim3A_232 : vector<16xi1>, vector<16xf32>
    %add3A_237 = arith.addf %select_n3A_234, %select_n3A_236 : vector<16xf32>
    %swap3A_238 = arith.constant 16 : index
    %swap3A_239 = tpu.vector_load %arg5[%swap3A_238] {strides = array<i32>} : memref<64xf32, #tpu.memory_space<vmem>>, vector<16xf32>,
    %swap3A_240 = vector.shape_cast %swap3A_239 : vector<16xf32> to vector<16xf32>
    %swap3A_241 = vector.shape_cast %add3A_237 : vector<16xf32> to vector<16xf32>
    tpu.vector_store %arg5[%swap3A_238], %swap3A_241 {strides = array<i32>} : memref<64xf32, #tpu.memory_space<vmem>>, vector<16xf32>,
    %get3A_242 = arith.constant 32 : index
    %get3A_243 = tpu.vector_load %arg4[%get3A_242] {strides = array<i32>} : memref<64xf32, #tpu.memory_space<vmem>>, vector<16xf32>,
    %get3A_244 = vector.shape_cast %get3A_243 : vector<16xf32> to vector<16xf32>
    %xor3A_245 = arith.constant 4 : i32
    %xor3A_246 = vector.broadcast %xor3A_245 : i32 to vector<16xi32>
    %xor3A_247 = arith.xori %iota3A, %xor3A_246 : vector<16xi32>
    %broadcast_in_dim3A_248 = vector.shape_cast %xor3A_247 : vector<16xi32> to vector<16x1xi32>
    %gather3A_249 = vector.shape_cast %broadcast_in_dim3A_248 : vector<16x1xi32> to vector<16xi32>
    %gather3A_250 = tpu.dynamic_gather %get3A_244[%gather3A_249] in [0] : vector<16xf32>, vector<16xi32> -> vector<16xf32>
    %broadcast_in_dim3A_251 = vector.shape_cast %xor3A_247 : vector<16xi32> to vector<16x1xi32>
    %gather3A_252 = vector.shape_cast %broadcast_in_dim3A_251 : vector<16x1xi32> to vector<16xi32>
    %gather3A_253 = tpu.dynamic_gather %and3A_4[%gather3A_252] in [0] : vector<16xi32>, vector<16xi32> -> vector<16xi32>
    %gt3A_254 = arith.cmpf ogt, %gather3A_250, %get3A_244 : vector<16xf32>
    %eq3A_255 = arith.cmpf oeq, %gather3A_250, %get3A_244 : vector<16xf32>
    %lt3A_256 = arith.cmpi slt, %gather3A_253, %and3A_4 : vector<16xi32>
    %and3A_257 = arith.andi %eq3A_255, %lt3A_256 : vector<16xi1>
    %or3A_258 = arith.ori %gt3A_254, %and3A_257 : vector<16xi1>
    %select_n3A_259 = arith.select %or3A_258, %gather3A_250, %get3A_244 : vector<16xi1>, vector<16xf32>
    %select_n3A_260 = arith.select %or3A_258, %gather3A_253, %and3A_4 : vector<16xi1>, vector<16xi32>
    %xor3A_261 = arith.constant 2 : i32
    %xor3A_262 = vector.broadcast %xor3A_261 : i32 to vector<16xi32>
    %xor3A_263 = arith.xori %iota3A, %xor3A_262 : vector<16xi32>
    %broadcast_in_dim3A_264 = vector.shape_cast %xor3A_263 : vector<16xi32> to vector<16x1xi32>
    %gather3A_265 = vector.shape_cast %broadcast_in_dim3A_264 : vector<16x1xi32> to vector<16xi32>
    %gather3A_266 = tpu.dynamic_gather %select_n3A_259[%gather3A_265] in [0] : vector<16xf32>, vector<16xi32> -> vector<16xf32>
    %broadcast_in_dim3A_267 = vector.shape_cast %xor3A_263 : vector<16xi32> to vector<16x1xi32>
    %gather3A_268 = vector.shape_cast %broadcast_in_dim3A_267 : vector<16x1xi32> to vector<16xi32>
    %gather3A_269 = tpu.dynamic_gather %select_n3A_260[%gather3A_268] in [0] : vector<16xi32>, vector<16xi32> -> vector<16xi32>
    %gt3A_270 = arith.cmpf ogt, %gather3A_266, %select_n3A_259 : vector<16xf32>
    %eq3A_271 = arith.cmpf oeq, %gather3A_266, %select_n3A_259 : vector<16xf32>
    %lt3A_272 = arith.cmpi slt, %gather3A_269, %select_n3A_260 : vector<16xi32>
    %and3A_273 = arith.andi %eq3A_271, %lt3A_272 : vector<16xi1>
    %or3A_274 = arith.ori %gt3A_270, %and3A_273 : vector<16xi1>
    %select_n3A_275 = arith.select %or3A_274, %gather3A_266, %select_n3A_259 : vector<16xi1>, vector<16xf32>
    %select_n3A_276 = arith.select %or3A_274, %gather3A_269, %select_n3A_260 : vector<16xi1>, vector<16xi32>
    %xor3A_277 = arith.constant 1 : i32
    %xor3A_278 = vector.broadcast %xor3A_277 : i32 to vector<16xi32>
    %xor3A_279 = arith.xori %iota3A, %xor3A_278 : vector<16xi32>
    %broadcast_in_dim3A_280 = vector.shape_cast %xor3A_279 : vector<16xi32> to vector<16x1xi32>
    %gather3A_281 = vector.shape_cast %broadcast_in_dim3A_280 : vector<16x1xi32> to vector<16xi32>
    %gather3A_282 = tpu.dynamic_gather %select_n3A_275[%gather3A_281] in [0] : vector<16xf32>, vector<16xi32> -> vector<16xf32>
    %broadcast_in_dim3A_283 = vector.shape_cast %xor3A_279 : vector<16xi32> to vector<16x1xi32>
    %gather3A_284 = vector.shape_cast %broadcast_in_dim3A_283 : vector<16x1xi32> to vector<16xi32>
    %gather3A_285 = tpu.dynamic_gather %select_n3A_276[%gather3A_284] in [0] : vector<16xi32>, vector<16xi32> -> vector<16xi32>
    %gt3A_286 = arith.cmpf ogt, %gather3A_282, %select_n3A_275 : vector<16xf32>
    %eq3A_287 = arith.cmpf oeq, %gather3A_282, %select_n3A_275 : vector<16xf32>
    %lt3A_288 = arith.cmpi slt, %gather3A_285, %select_n3A_276 : vector<16xi32>
    %and3A_289 = arith.andi %eq3A_287, %lt3A_288 : vector<16xi1>
    %or3A_290 = arith.ori %gt3A_286, %and3A_289 : vector<16xi1>
    %select_n3A_291 = arith.select %or3A_290, %gather3A_282, %select_n3A_275 : vector<16xi1>, vector<16xf32>
    %select_n3A_292 = arith.select %or3A_290, %gather3A_285, %select_n3A_276 : vector<16xi1>, vector<16xi32>
    %eq3A_293 = arith.cmpi eq, %and3A_4, %select_n3A_292 : vector<16xi32>
    %broadcast_in_dim3A_294 = arith.constant -3.000000e+38 : f32
    %broadcast_in_dim3A_295 = vector.broadcast %broadcast_in_dim3A_294 : f32 to vector<16xf32>
    %select_n3A_296 = arith.select %eq3A_293, %broadcast_in_dim3A_295, %get3A_244 : vector<16xi1>, vector<16xf32>
    %xor3A_297 = arith.constant 4 : i32
    %xor3A_298 = vector.broadcast %xor3A_297 : i32 to vector<16xi32>
    %xor3A_299 = arith.xori %iota3A, %xor3A_298 : vector<16xi32>
    %broadcast_in_dim3A_300 = vector.shape_cast %xor3A_299 : vector<16xi32> to vector<16x1xi32>
    %gather3A_301 = vector.shape_cast %broadcast_in_dim3A_300 : vector<16x1xi32> to vector<16xi32>
    %gather3A_302 = tpu.dynamic_gather %select_n3A_296[%gather3A_301] in [0] : vector<16xf32>, vector<16xi32> -> vector<16xf32>
    %broadcast_in_dim3A_303 = vector.shape_cast %xor3A_299 : vector<16xi32> to vector<16x1xi32>
    %gather3A_304 = vector.shape_cast %broadcast_in_dim3A_303 : vector<16x1xi32> to vector<16xi32>
    %gather3A_305 = tpu.dynamic_gather %and3A_4[%gather3A_304] in [0] : vector<16xi32>, vector<16xi32> -> vector<16xi32>
    %gt3A_306 = arith.cmpf ogt, %gather3A_302, %select_n3A_296 : vector<16xf32>
    %eq3A_307 = arith.cmpf oeq, %gather3A_302, %select_n3A_296 : vector<16xf32>
    %lt3A_308 = arith.cmpi slt, %gather3A_305, %and3A_4 : vector<16xi32>
    %and3A_309 = arith.andi %eq3A_307, %lt3A_308 : vector<16xi1>
    %or3A_310 = arith.ori %gt3A_306, %and3A_309 : vector<16xi1>
    %select_n3A_311 = arith.select %or3A_310, %gather3A_302, %select_n3A_296 : vector<16xi1>, vector<16xf32>
    %select_n3A_312 = arith.select %or3A_310, %gather3A_305, %and3A_4 : vector<16xi1>, vector<16xi32>
    %xor3A_313 = arith.constant 2 : i32
    %xor3A_314 = vector.broadcast %xor3A_313 : i32 to vector<16xi32>
    %xor3A_315 = arith.xori %iota3A, %xor3A_314 : vector<16xi32>
    %broadcast_in_dim3A_316 = vector.shape_cast %xor3A_315 : vector<16xi32> to vector<16x1xi32>
    %gather3A_317 = vector.shape_cast %broadcast_in_dim3A_316 : vector<16x1xi32> to vector<16xi32>
    %gather3A_318 = tpu.dynamic_gather %select_n3A_311[%gather3A_317] in [0] : vector<16xf32>, vector<16xi32> -> vector<16xf32>
    %broadcast_in_dim3A_319 = vector.shape_cast %xor3A_315 : vector<16xi32> to vector<16x1xi32>
    %gather3A_320 = vector.shape_cast %broadcast_in_dim3A_319 : vector<16x1xi32> to vector<16xi32>
    %gather3A_321 = tpu.dynamic_gather %select_n3A_312[%gather3A_320] in [0] : vector<16xi32>, vector<16xi32> -> vector<16xi32>
    %gt3A_322 = arith.cmpf ogt, %gather3A_318, %select_n3A_311 : vector<16xf32>
    %eq3A_323 = arith.cmpf oeq, %gather3A_318, %select_n3A_311 : vector<16xf32>
    %lt3A_324 = arith.cmpi slt, %gather3A_321, %select_n3A_312 : vector<16xi32>
    %and3A_325 = arith.andi %eq3A_323, %lt3A_324 : vector<16xi1>
    %or3A_326 = arith.ori %gt3A_322, %and3A_325 : vector<16xi1>
    %select_n3A_327 = arith.select %or3A_326, %gather3A_318, %select_n3A_311 : vector<16xi1>, vector<16xf32>
    %select_n3A_328 = arith.select %or3A_326, %gather3A_321, %select_n3A_312 : vector<16xi1>, vector<16xi32>
    %xor3A_329 = arith.constant 1 : i32
    %xor3A_330 = vector.broadcast %xor3A_329 : i32 to vector<16xi32>
    %xor3A_331 = arith.xori %iota3A, %xor3A_330 : vector<16xi32>
    %broadcast_in_dim3A_332 = vector.shape_cast %xor3A_331 : vector<16xi32> to vector<16x1xi32>
    %gather3A_333 = vector.shape_cast %broadcast_in_dim3A_332 : vector<16x1xi32> to vector<16xi32>
    %gather3A_334 = tpu.dynamic_gather %select_n3A_327[%gather3A_333] in [0] : vector<16xf32>, vector<16xi32> -> vector<16xf32>
    %broadcast_in_dim3A_335 = vector.shape_cast %xor3A_331 : vector<16xi32> to vector<16x1xi32>
    %gather3A_336 = vector.shape_cast %broadcast_in_dim3A_335 : vector<16x1xi32> to vector<16xi32>
    %gather3A_337 = tpu.dynamic_gather %select_n3A_328[%gather3A_336] in [0] : vector<16xi32>, vector<16xi32> -> vector<16xi32>
    %gt3A_338 = arith.cmpf ogt, %gather3A_334, %select_n3A_327 : vector<16xf32>
    %eq3A_339 = arith.cmpf oeq, %gather3A_334, %select_n3A_327 : vector<16xf32>
    %lt3A_340 = arith.cmpi slt, %gather3A_337, %select_n3A_328 : vector<16xi32>
    %and3A_341 = arith.andi %eq3A_339, %lt3A_340 : vector<16xi1>
    %or3A_342 = arith.ori %gt3A_338, %and3A_341 : vector<16xi1>
    %select_n3A_343 = arith.select %or3A_342, %gather3A_334, %select_n3A_327 : vector<16xi1>, vector<16xf32>
    %select_n3A_344 = arith.select %or3A_342, %gather3A_337, %select_n3A_328 : vector<16xi1>, vector<16xi32>
    %sub3A_345 = arith.subf %select_n3A_343, %select_n3A_291 : vector<16xf32>
    %exp3A_346 = math.exp %sub3A_345 : vector<16xf32>
    %add3A_347 = arith.constant 1.000000e+00 : f32
    %add3A_348 = vector.broadcast %add3A_347 : f32 to vector<16xf32>
    %add3A_349 = arith.addf %add3A_348, %exp3A_346 : vector<16xf32>
    %div3A_350 = arith.constant 1.000000e+00 : f32
    %div3A_351 = vector.broadcast %div3A_350 : f32 to vector<16xf32>
    %div3A_352 = arith.divf %div3A_351, %add3A_349 : vector<16xf32>
    %sub3A_353 = arith.constant 1.000000e+00 : f32
    %sub3A_354 = vector.broadcast %sub3A_353 : f32 to vector<16xf32>
    %sub3A_355 = arith.subf %sub3A_354, %div3A_352 : vector<16xf32>
    %broadcast_in_dim3A_356 = arith.constant 0.000000e+00 : f32
    %broadcast_in_dim3A_357 = vector.broadcast %broadcast_in_dim3A_356 : f32 to vector<16xf32>
    %eq3A_358 = arith.cmpi eq, %and3A_4, %select_n3A_292 : vector<16xi32>
    %select_n3A_359 = arith.select %eq3A_358, %div3A_352, %broadcast_in_dim3A_357 : vector<16xi1>, vector<16xf32>
    %eq3A_360 = arith.cmpi eq, %and3A_4, %select_n3A_344 : vector<16xi32>
    %select_n3A_361 = arith.select %eq3A_360, %sub3A_355, %broadcast_in_dim3A_357 : vector<16xi1>, vector<16xf32>
    %add3A_362 = arith.addf %select_n3A_359, %select_n3A_361 : vector<16xf32>
    %swap3A_363 = arith.constant 32 : index
    %swap3A_364 = tpu.vector_load %arg5[%swap3A_363] {strides = array<i32>} : memref<64xf32, #tpu.memory_space<vmem>>, vector<16xf32>,
    %swap3A_365 = vector.shape_cast %swap3A_364 : vector<16xf32> to vector<16xf32>
    %swap3A_366 = vector.shape_cast %add3A_362 : vector<16xf32> to vector<16xf32>
    tpu.vector_store %arg5[%swap3A_363], %swap3A_366 {strides = array<i32>} : memref<64xf32, #tpu.memory_space<vmem>>, vector<16xf32>,
    %get3A_367 = arith.constant 48 : index
    %get3A_368 = tpu.vector_load %arg4[%get3A_367] {strides = array<i32>} : memref<64xf32, #tpu.memory_space<vmem>>, vector<16xf32>,
    %get3A_369 = vector.shape_cast %get3A_368 : vector<16xf32> to vector<16xf32>
    %xor3A_370 = arith.constant 4 : i32
    %xor3A_371 = vector.broadcast %xor3A_370 : i32 to vector<16xi32>
    %xor3A_372 = arith.xori %iota3A, %xor3A_371 : vector<16xi32>
    %broadcast_in_dim3A_373 = vector.shape_cast %xor3A_372 : vector<16xi32> to vector<16x1xi32>
    %gather3A_374 = vector.shape_cast %broadcast_in_dim3A_373 : vector<16x1xi32> to vector<16xi32>
    %gather3A_375 = tpu.dynamic_gather %get3A_369[%gather3A_374] in [0] : vector<16xf32>, vector<16xi32> -> vector<16xf32>
    %broadcast_in_dim3A_376 = vector.shape_cast %xor3A_372 : vector<16xi32> to vector<16x1xi32>
    %gather3A_377 = vector.shape_cast %broadcast_in_dim3A_376 : vector<16x1xi32> to vector<16xi32>
    %gather3A_378 = tpu.dynamic_gather %and3A_4[%gather3A_377] in [0] : vector<16xi32>, vector<16xi32> -> vector<16xi32>
    %gt3A_379 = arith.cmpf ogt, %gather3A_375, %get3A_369 : vector<16xf32>
    %eq3A_380 = arith.cmpf oeq, %gather3A_375, %get3A_369 : vector<16xf32>
    %lt3A_381 = arith.cmpi slt, %gather3A_378, %and3A_4 : vector<16xi32>
    %and3A_382 = arith.andi %eq3A_380, %lt3A_381 : vector<16xi1>
    %or3A_383 = arith.ori %gt3A_379, %and3A_382 : vector<16xi1>
    %select_n3A_384 = arith.select %or3A_383, %gather3A_375, %get3A_369 : vector<16xi1>, vector<16xf32>
    %select_n3A_385 = arith.select %or3A_383, %gather3A_378, %and3A_4 : vector<16xi1>, vector<16xi32>
    %xor3A_386 = arith.constant 2 : i32
    %xor3A_387 = vector.broadcast %xor3A_386 : i32 to vector<16xi32>
    %xor3A_388 = arith.xori %iota3A, %xor3A_387 : vector<16xi32>
    %broadcast_in_dim3A_389 = vector.shape_cast %xor3A_388 : vector<16xi32> to vector<16x1xi32>
    %gather3A_390 = vector.shape_cast %broadcast_in_dim3A_389 : vector<16x1xi32> to vector<16xi32>
    %gather3A_391 = tpu.dynamic_gather %select_n3A_384[%gather3A_390] in [0] : vector<16xf32>, vector<16xi32> -> vector<16xf32>
    %broadcast_in_dim3A_392 = vector.shape_cast %xor3A_388 : vector<16xi32> to vector<16x1xi32>
    %gather3A_393 = vector.shape_cast %broadcast_in_dim3A_392 : vector<16x1xi32> to vector<16xi32>
    %gather3A_394 = tpu.dynamic_gather %select_n3A_385[%gather3A_393] in [0] : vector<16xi32>, vector<16xi32> -> vector<16xi32>
    %gt3A_395 = arith.cmpf ogt, %gather3A_391, %select_n3A_384 : vector<16xf32>
    %eq3A_396 = arith.cmpf oeq, %gather3A_391, %select_n3A_384 : vector<16xf32>
    %lt3A_397 = arith.cmpi slt, %gather3A_394, %select_n3A_385 : vector<16xi32>
    %and3A_398 = arith.andi %eq3A_396, %lt3A_397 : vector<16xi1>
    %or3A_399 = arith.ori %gt3A_395, %and3A_398 : vector<16xi1>
    %select_n3A_400 = arith.select %or3A_399, %gather3A_391, %select_n3A_384 : vector<16xi1>, vector<16xf32>
    %select_n3A_401 = arith.select %or3A_399, %gather3A_394, %select_n3A_385 : vector<16xi1>, vector<16xi32>
    %xor3A_402 = arith.constant 1 : i32
    %xor3A_403 = vector.broadcast %xor3A_402 : i32 to vector<16xi32>
    %xor3A_404 = arith.xori %iota3A, %xor3A_403 : vector<16xi32>
    %broadcast_in_dim3A_405 = vector.shape_cast %xor3A_404 : vector<16xi32> to vector<16x1xi32>
    %gather3A_406 = vector.shape_cast %broadcast_in_dim3A_405 : vector<16x1xi32> to vector<16xi32>
    %gather3A_407 = tpu.dynamic_gather %select_n3A_400[%gather3A_406] in [0] : vector<16xf32>, vector<16xi32> -> vector<16xf32>
    %broadcast_in_dim3A_408 = vector.shape_cast %xor3A_404 : vector<16xi32> to vector<16x1xi32>
    %gather3A_409 = vector.shape_cast %broadcast_in_dim3A_408 : vector<16x1xi32> to vector<16xi32>
    %gather3A_410 = tpu.dynamic_gather %select_n3A_401[%gather3A_409] in [0] : vector<16xi32>, vector<16xi32> -> vector<16xi32>
    %gt3A_411 = arith.cmpf ogt, %gather3A_407, %select_n3A_400 : vector<16xf32>
    %eq3A_412 = arith.cmpf oeq, %gather3A_407, %select_n3A_400 : vector<16xf32>
    %lt3A_413 = arith.cmpi slt, %gather3A_410, %select_n3A_401 : vector<16xi32>
    %and3A_414 = arith.andi %eq3A_412, %lt3A_413 : vector<16xi1>
    %or3A_415 = arith.ori %gt3A_411, %and3A_414 : vector<16xi1>
    %select_n3A_416 = arith.select %or3A_415, %gather3A_407, %select_n3A_400 : vector<16xi1>, vector<16xf32>
    %select_n3A_417 = arith.select %or3A_415, %gather3A_410, %select_n3A_401 : vector<16xi1>, vector<16xi32>
    %eq3A_418 = arith.cmpi eq, %and3A_4, %select_n3A_417 : vector<16xi32>
    %broadcast_in_dim3A_419 = arith.constant -3.000000e+38 : f32
    %broadcast_in_dim3A_420 = vector.broadcast %broadcast_in_dim3A_419 : f32 to vector<16xf32>
    %select_n3A_421 = arith.select %eq3A_418, %broadcast_in_dim3A_420, %get3A_369 : vector<16xi1>, vector<16xf32>
    %xor3A_422 = arith.constant 4 : i32
    %xor3A_423 = vector.broadcast %xor3A_422 : i32 to vector<16xi32>
    %xor3A_424 = arith.xori %iota3A, %xor3A_423 : vector<16xi32>
    %broadcast_in_dim3A_425 = vector.shape_cast %xor3A_424 : vector<16xi32> to vector<16x1xi32>
    %gather3A_426 = vector.shape_cast %broadcast_in_dim3A_425 : vector<16x1xi32> to vector<16xi32>
    %gather3A_427 = tpu.dynamic_gather %select_n3A_421[%gather3A_426] in [0] : vector<16xf32>, vector<16xi32> -> vector<16xf32>
    %broadcast_in_dim3A_428 = vector.shape_cast %xor3A_424 : vector<16xi32> to vector<16x1xi32>
    %gather3A_429 = vector.shape_cast %broadcast_in_dim3A_428 : vector<16x1xi32> to vector<16xi32>
    %gather3A_430 = tpu.dynamic_gather %and3A_4[%gather3A_429] in [0] : vector<16xi32>, vector<16xi32> -> vector<16xi32>
    %gt3A_431 = arith.cmpf ogt, %gather3A_427, %select_n3A_421 : vector<16xf32>
    %eq3A_432 = arith.cmpf oeq, %gather3A_427, %select_n3A_421 : vector<16xf32>
    %lt3A_433 = arith.cmpi slt, %gather3A_430, %and3A_4 : vector<16xi32>
    %and3A_434 = arith.andi %eq3A_432, %lt3A_433 : vector<16xi1>
    %or3A_435 = arith.ori %gt3A_431, %and3A_434 : vector<16xi1>
    %select_n3A_436 = arith.select %or3A_435, %gather3A_427, %select_n3A_421 : vector<16xi1>, vector<16xf32>
    %select_n3A_437 = arith.select %or3A_435, %gather3A_430, %and3A_4 : vector<16xi1>, vector<16xi32>
    %xor3A_438 = arith.constant 2 : i32
    %xor3A_439 = vector.broadcast %xor3A_438 : i32 to vector<16xi32>
    %xor3A_440 = arith.xori %iota3A, %xor3A_439 : vector<16xi32>
    %broadcast_in_dim3A_441 = vector.shape_cast %xor3A_440 : vector<16xi32> to vector<16x1xi32>
    %gather3A_442 = vector.shape_cast %broadcast_in_dim3A_441 : vector<16x1xi32> to vector<16xi32>
    %gather3A_443 = tpu.dynamic_gather %select_n3A_436[%gather3A_442] in [0] : vector<16xf32>, vector<16xi32> -> vector<16xf32>
    %broadcast_in_dim3A_444 = vector.shape_cast %xor3A_440 : vector<16xi32> to vector<16x1xi32>
    %gather3A_445 = vector.shape_cast %broadcast_in_dim3A_444 : vector<16x1xi32> to vector<16xi32>
    %gather3A_446 = tpu.dynamic_gather %select_n3A_437[%gather3A_445] in [0] : vector<16xi32>, vector<16xi32> -> vector<16xi32>
    %gt3A_447 = arith.cmpf ogt, %gather3A_443, %select_n3A_436 : vector<16xf32>
    %eq3A_448 = arith.cmpf oeq, %gather3A_443, %select_n3A_436 : vector<16xf32>
    %lt3A_449 = arith.cmpi slt, %gather3A_446, %select_n3A_437 : vector<16xi32>
    %and3A_450 = arith.andi %eq3A_448, %lt3A_449 : vector<16xi1>
    %or3A_451 = arith.ori %gt3A_447, %and3A_450 : vector<16xi1>
    %select_n3A_452 = arith.select %or3A_451, %gather3A_443, %select_n3A_436 : vector<16xi1>, vector<16xf32>
    %select_n3A_453 = arith.select %or3A_451, %gather3A_446, %select_n3A_437 : vector<16xi1>, vector<16xi32>
    %xor3A_454 = arith.constant 1 : i32
    %xor3A_455 = vector.broadcast %xor3A_454 : i32 to vector<16xi32>
    %xor3A_456 = arith.xori %iota3A, %xor3A_455 : vector<16xi32>
    %broadcast_in_dim3A_457 = vector.shape_cast %xor3A_456 : vector<16xi32> to vector<16x1xi32>
    %gather3A_458 = vector.shape_cast %broadcast_in_dim3A_457 : vector<16x1xi32> to vector<16xi32>
    %gather3A_459 = tpu.dynamic_gather %select_n3A_452[%gather3A_458] in [0] : vector<16xf32>, vector<16xi32> -> vector<16xf32>
    %broadcast_in_dim3A_460 = vector.shape_cast %xor3A_456 : vector<16xi32> to vector<16x1xi32>
    %gather3A_461 = vector.shape_cast %broadcast_in_dim3A_460 : vector<16x1xi32> to vector<16xi32>
    %gather3A_462 = tpu.dynamic_gather %select_n3A_453[%gather3A_461] in [0] : vector<16xi32>, vector<16xi32> -> vector<16xi32>
    %gt3A_463 = arith.cmpf ogt, %gather3A_459, %select_n3A_452 : vector<16xf32>
    %eq3A_464 = arith.cmpf oeq, %gather3A_459, %select_n3A_452 : vector<16xf32>
    %lt3A_465 = arith.cmpi slt, %gather3A_462, %select_n3A_453 : vector<16xi32>
    %and3A_466 = arith.andi %eq3A_464, %lt3A_465 : vector<16xi1>
    %or3A_467 = arith.ori %gt3A_463, %and3A_466 : vector<16xi1>
    %select_n3A_468 = arith.select %or3A_467, %gather3A_459, %select_n3A_452 : vector<16xi1>, vector<16xf32>
    %select_n3A_469 = arith.select %or3A_467, %gather3A_462, %select_n3A_453 : vector<16xi1>, vector<16xi32>
    %sub3A_470 = arith.subf %select_n3A_468, %select_n3A_416 : vector<16xf32>
    %exp3A_471 = math.exp %sub3A_470 : vector<16xf32>
    %add3A_472 = arith.constant 1.000000e+00 : f32
    %add3A_473 = vector.broadcast %add3A_472 : f32 to vector<16xf32>
    %add3A_474 = arith.addf %add3A_473, %exp3A_471 : vector<16xf32>
    %div3A_475 = arith.constant 1.000000e+00 : f32
    %div3A_476 = vector.broadcast %div3A_475 : f32 to vector<16xf32>
    %div3A_477 = arith.divf %div3A_476, %add3A_474 : vector<16xf32>
    %sub3A_478 = arith.constant 1.000000e+00 : f32
    %sub3A_479 = vector.broadcast %sub3A_478 : f32 to vector<16xf32>
    %sub3A_480 = arith.subf %sub3A_479, %div3A_477 : vector<16xf32>
    %broadcast_in_dim3A_481 = arith.constant 0.000000e+00 : f32
    %broadcast_in_dim3A_482 = vector.broadcast %broadcast_in_dim3A_481 : f32 to vector<16xf32>
    %eq3A_483 = arith.cmpi eq, %and3A_4, %select_n3A_417 : vector<16xi32>
    %select_n3A_484 = arith.select %eq3A_483, %div3A_477, %broadcast_in_dim3A_482 : vector<16xi1>, vector<16xf32>
    %eq3A_485 = arith.cmpi eq, %and3A_4, %select_n3A_469 : vector<16xi32>
    %select_n3A_486 = arith.select %eq3A_485, %sub3A_480, %broadcast_in_dim3A_482 : vector<16xi1>, vector<16xf32>
    %add3A_487 = arith.addf %select_n3A_484, %select_n3A_486 : vector<16xf32>
    %swap3A_488 = arith.constant 48 : index
    %swap3A_489 = tpu.vector_load %arg5[%swap3A_488] {strides = array<i32>} : memref<64xf32, #tpu.memory_space<vmem>>, vector<16xf32>,
    %swap3A_490 = vector.shape_cast %swap3A_489 : vector<16xf32> to vector<16xf32>
    %swap3A_491 = vector.shape_cast %add3A_487 : vector<16xf32> to vector<16xf32>
    tpu.vector_store %arg5[%swap3A_488], %swap3A_491 {strides = array<i32>} : memref<64xf32, #tpu.memory_space<vmem>>, vector<16xf32>,
    "tpu.region"() ({
      %run_scoped3A = tpu.sem_alloc : memref<!tpu.dma_semaphore, #tpu.memory_space<semaphore_mem>>
      %dma_start3A = tpu.memref_slice %arg3[%mul3A_2] : memref<2048xf32, #tpu.memory_space<hbm>> -> memref<64xf32, #tpu.memory_space<hbm>>
      %dma_start3A_492 = tpu.memref_slice %arg3[%mul3A_2] : memref<2048xf32, #tpu.memory_space<hbm>> -> memref<64xf32, #tpu.memory_space<hbm>>
      tpu.enqueue_dma source(%arg5 : memref<64xf32, #tpu.memory_space<vmem>>) target(%dma_start3A_492 : memref<64xf32, #tpu.memory_space<hbm>>) target_semaphore(%run_scoped3A : memref<!tpu.dma_semaphore, #tpu.memory_space<semaphore_mem>>)
      %dma_wait3A = tpu.memref_slice %arg3[%mul3A_2] : memref<2048xf32, #tpu.memory_space<hbm>> -> memref<64xf32, #tpu.memory_space<hbm>>
      %dma_wait3A_493 = tpu.memref_slice %arg3[%mul3A_2] : memref<2048xf32, #tpu.memory_space<hbm>> -> memref<64xf32, #tpu.memory_space<hbm>>
      tpu.wait_dma2 semaphore(%run_scoped3A : memref<!tpu.dma_semaphore, #tpu.memory_space<semaphore_mem>>) src(%arg5 : memref<64xf32, #tpu.memory_space<vmem>>) dst(%dma_wait3A_493 : memref<64xf32, #tpu.memory_space<hbm>>)
      tpu.yield
    }) : () -> ()
    return
  }
}

module attributes {stable_mosaic.version = 14 : i64} {
  func.func @_moe_body(%arg0: i32, %arg1: memref<256x1024xf32, #tpu.memory_space<vmem>>, %arg2: memref<256x8xf32, #tpu.memory_space<vmem>>, %arg3: memref<1x2048x1024xf32, #tpu.memory_space<vmem>>, %arg4: memref<1x1024x1024xf32, #tpu.memory_space<vmem>>, %arg5: memref<256x1024xf32, #tpu.memory_space<vmem>>) attributes {dimension_semantics = [#tpu.dimension_semantics<arbitrary>], iteration_bounds = array<i64: 8>, scalar_prefetch = 0 : i64, scratch_operands = 0 : i64, tpu.core_type = #tpu.core_type<tc>, window_params = [{pipeline_mode = #tpu.pipeline_mode<synchronous>, transform_indices = @transform_0, window_bounds = array<i64: 256, 1024>}, {pipeline_mode = #tpu.pipeline_mode<synchronous>, transform_indices = @transform_1, window_bounds = array<i64: 256, 8>}, {transform_indices = @transform_2, window_bounds = array<i64: 1, 2048, 1024>}, {transform_indices = @transform_3, window_bounds = array<i64: 1, 1024, 1024>}, {pipeline_mode = #tpu.pipeline_mode<synchronous>, transform_indices = @transform_4, window_bounds = array<i64: 256, 1024>}]} {
    %get3A = arith.constant 0 : index
    %get3A_0 = arith.constant 0 : index
    %get3A_1 = vector.load %arg1[%get3A, %get3A_0] : memref<256x1024xf32, #tpu.memory_space<vmem>>, vector<256x1024xf32>
    %convert_element_type3A = arith.truncf %get3A_1 : vector<256x1024xf32> to vector<256x1024xbf16>
    %get3A_2 = arith.constant 0 : index
    %get3A_3 = arith.constant 0 : index
    %get3A_4 = arith.constant 0 : index
    %get3A_5 = vector.load %arg3[%get3A_2, %get3A_3, %get3A_4] : memref<1x2048x1024xf32, #tpu.memory_space<vmem>>, vector<1x1024x1024xf32>
    %get3A_6 = vector.shape_cast %get3A_5 : vector<1x1024x1024xf32> to vector<1024x1024xf32>
    %convert_element_type3A_7 = arith.truncf %get3A_6 : vector<1024x1024xf32> to vector<1024x1024xbf16>
    %get3A_8 = arith.constant 0 : index
    %get3A_9 = arith.constant 1024 : index
    %get3A_10 = arith.constant 0 : index
    %get3A_11 = vector.load %arg3[%get3A_8, %get3A_9, %get3A_10] : memref<1x2048x1024xf32, #tpu.memory_space<vmem>>, vector<1x1024x1024xf32>
    %get3A_12 = vector.shape_cast %get3A_11 : vector<1x1024x1024xf32> to vector<1024x1024xf32>
    %convert_element_type3A_13 = arith.truncf %get3A_12 : vector<1024x1024xf32> to vector<1024x1024xbf16>
    %dot_general3A = arith.constant dense<0.000000e+00> : vector<256x1024xf32>
    %dot_general3A_14 = tpu.matmul %convert_element_type3A, %convert_element_type3A_7, %dot_general3A {dimension_numbers = #tpu.dot_dimension_numbers<[1], [1], [0], [0], [0, 0, 1, 0], [], []>, transpose_lhs_hint = false} : vector<256x1024xbf16>, vector<1024x1024xbf16>, vector<256x1024xf32> -> vector<256x1024xf32>
    %dot_general3A_15 = arith.constant dense<0.000000e+00> : vector<256x1024xf32>
    %dot_general3A_16 = tpu.matmul %convert_element_type3A, %convert_element_type3A_13, %dot_general3A_15 {dimension_numbers = #tpu.dot_dimension_numbers<[1], [1], [0], [0], [0, 0, 1, 0], [], []>, transpose_lhs_hint = false} : vector<256x1024xbf16>, vector<1024x1024xbf16>, vector<256x1024xf32> -> vector<256x1024xf32>
    %logistic3A = arith.negf %dot_general3A_14 : vector<256x1024xf32>
    %logistic3A_17 = math.exp %logistic3A : vector<256x1024xf32>
    %logistic3A_18 = arith.constant 1.000000e+00 : f32
    %logistic3A_19 = vector.broadcast %logistic3A_18 : f32 to vector<256x1024xf32>
    %logistic3A_20 = arith.addf %logistic3A_19, %logistic3A_17 : vector<256x1024xf32>
    %logistic3A_21 = arith.divf %logistic3A_19, %logistic3A_20 : vector<256x1024xf32>
    %mul3A = arith.mulf %dot_general3A_14, %logistic3A_21 : vector<256x1024xf32>
    %mul3A_22 = arith.mulf %mul3A, %dot_general3A_16 : vector<256x1024xf32>
    %get3A_23 = arith.constant 0 : index
    %get3A_24 = arith.constant 0 : index
    %get3A_25 = arith.constant 0 : index
    %get3A_26 = vector.load %arg4[%get3A_23, %get3A_24, %get3A_25] : memref<1x1024x1024xf32, #tpu.memory_space<vmem>>, vector<1x1024x1024xf32>
    %get3A_27 = vector.shape_cast %get3A_26 : vector<1x1024x1024xf32> to vector<1024x1024xf32>
    %convert_element_type3A_28 = arith.truncf %get3A_27 : vector<1024x1024xf32> to vector<1024x1024xbf16>
    %convert_element_type3A_29 = arith.truncf %mul3A_22 : vector<256x1024xf32> to vector<256x1024xbf16>
    %dot_general3A_30 = arith.constant dense<0.000000e+00> : vector<256x1024xf32>
    %dot_general3A_31 = tpu.matmul %convert_element_type3A_29, %convert_element_type3A_28, %dot_general3A_30 {dimension_numbers = #tpu.dot_dimension_numbers<[1], [1], [0], [0], [0, 0, 1, 0], [], []>, transpose_lhs_hint = false} : vector<256x1024xbf16>, vector<1024x1024xbf16>, vector<256x1024xf32> -> vector<256x1024xf32>
    %get3A_32 = arith.constant 0 : index
    %get3A_33 = arith.constant 0 : index
    %get3A_34 = vector.load %arg2[%get3A_32, %get3A_33] : memref<256x8xf32, #tpu.memory_space<vmem>>, vector<256x8xf32>
    %iota3A = tpu.iota {dimensions = array<i32: 1>} : vector<256x8xi32>
    %eq3A = vector.broadcast %arg0 : i32 to vector<256x8xi32>
    %eq3A_35 = arith.cmpi eq, %iota3A, %eq3A : vector<256x8xi32>
    %jit3A = arith.constant 0.000000e+00 : f32
    %broadcast_in_dim3A = vector.broadcast %jit3A : f32 to vector<256x8xf32>
    %select_n3A = arith.select %eq3A_35, %get3A_34, %broadcast_in_dim3A : vector<256x8xi1>, vector<256x8xf32>
    %reduce_sum3A = arith.constant dense<0.000000e+00> : vector<256xf32>
    %reduce_sum3A_36 = vector.multi_reduction <add>, %select_n3A, %reduce_sum3A [1] : vector<256x8xf32> to vector<256xf32>
    %broadcast_in_dim3A_37 = vector.shape_cast %reduce_sum3A_36 : vector<256xf32> to vector<256x1xf32>
    %mul3A_38 = vector.broadcast %broadcast_in_dim3A_37 : vector<256x1xf32> to vector<256x1024xf32>
    %mul3A_39 = arith.mulf %dot_general3A_31, %mul3A_38 : vector<256x1024xf32>
    %eq3A_40 = arith.constant 0 : i32
    %eq3A_41 = arith.cmpi eq, %arg0, %eq3A_40 : i32
    %convert_element_type3A_42 = arith.extui %eq3A_41 : i1 to i32
    %cond3A = arith.constant 0 : i32
    %cond3A_43 = arith.cmpi ne, %convert_element_type3A_42, %cond3A : i32
    scf.if %cond3A_43 {
      %swap3A = arith.constant 0 : index
      %swap3A_48 = arith.constant 0 : index
      %swap3A_49 = vector.load %arg5[%swap3A, %swap3A_48] : memref<256x1024xf32, #tpu.memory_space<vmem>>, vector<256x1024xf32>
      tpu.vector_store %arg5[%swap3A, %swap3A_48], %mul3A_39 {strides = array<i32>} : memref<256x1024xf32, #tpu.memory_space<vmem>>, vector<256x1024xf32>,
    } else {
    }
    %ne3A = arith.constant 0 : i32
    %ne3A_44 = arith.cmpi ne, %arg0, %ne3A : i32
    %convert_element_type3A_45 = arith.extui %ne3A_44 : i1 to i32
    %cond3A_46 = arith.constant 0 : i32
    %cond3A_47 = arith.cmpi ne, %convert_element_type3A_45, %cond3A_46 : i32
    scf.if %cond3A_47 {
      %get3A_48 = arith.constant 0 : index
      %get3A_49 = arith.constant 0 : index
      %get3A_50 = vector.load %arg5[%get3A_48, %get3A_49] : memref<256x1024xf32, #tpu.memory_space<vmem>>, vector<256x1024xf32>
      %add3A = arith.addf %get3A_50, %mul3A_39 : vector<256x1024xf32>
      %swap3A = arith.constant 0 : index
      %swap3A_51 = arith.constant 0 : index
      %swap3A_52 = vector.load %arg5[%swap3A, %swap3A_51] : memref<256x1024xf32, #tpu.memory_space<vmem>>, vector<256x1024xf32>
      tpu.vector_store %arg5[%swap3A, %swap3A_51], %add3A {strides = array<i32>} : memref<256x1024xf32, #tpu.memory_space<vmem>>, vector<256x1024xf32>,
    } else {
    }
    return
  }
  func.func @transform_0(%arg0: i32) -> (i32, i32) {
    %c0_i32 = arith.constant 0 : i32
    %c0_i32_0 = arith.constant 0 : i32
    %c0_i32_1 = arith.constant 0 : i32
    return %c0_i32, %c0_i32_0 : i32, i32
  }
  func.func @transform_1(%arg0: i32) -> (i32, i32) {
    %c0_i32 = arith.constant 0 : i32
    %c0_i32_0 = arith.constant 0 : i32
    %c0_i32_1 = arith.constant 0 : i32
    return %c0_i32, %c0_i32_0 : i32, i32
  }
  func.func @transform_2(%arg0: i32) -> (i32, i32, i32) {
    %c0_i32 = arith.constant 0 : i32
    %c0_i32_0 = arith.constant 0 : i32
    %c0_i32_1 = arith.constant 0 : i32
    return %arg0, %c0_i32, %c0_i32_0 : i32, i32, i32
  }
  func.func @transform_3(%arg0: i32) -> (i32, i32, i32) {
    %c0_i32 = arith.constant 0 : i32
    %c0_i32_0 = arith.constant 0 : i32
    %c0_i32_1 = arith.constant 0 : i32
    return %arg0, %c0_i32, %c0_i32_0 : i32, i32, i32
  }
  func.func @transform_4(%arg0: i32) -> (i32, i32) {
    %c0_i32 = arith.constant 0 : i32
    %c0_i32_0 = arith.constant 0 : i32
    %c0_i32_1 = arith.constant 0 : i32
    return %c0_i32, %c0_i32_0 : i32, i32
  }
}

</mosaic_0001>

<sc_bundles>
// kernel: kernel.4.cloned.1.call-start
scs
__scs_entry_jumppad:
0x0: {  	(pc) =	sbr.rel $0x88, $3  }
0x1: {  	(tag) =	ssettag $0x0;
	lr =	simm.s32 $0x1  }
0x2: {  	[smem:$0x3F9D] =	sst lr;
	_ =	strace $0xD0000000  }
0x3: {  	_ = 	snop  }
0x4: {  	_ = 	snop  }
0x5: {  	_ = 	snop  }
0x6: {  	_ = 	snop  }
0x7: {  	_ = 	snop  }
__scs_overlays_trampoline_lowered:
0x8: {  	[smem:$0x3FAC] =	sst s0  }
0x9: {  	[smem:$0x3FAD] =	sst s1  }
0xa: {  	[smem:$0x3FAE] =	sst s2  }
0xb: {  	[smem:$0x3FAF] =	sst s3  }
0xc: {  	[smem:$0x3FB0] =	sst s4  }
0xd: {  	[smem:$0x3FB1] =	sst s5  }
0xe: {  	[smem:$0x3FB2] =	sst s6  }
0xf: {  	[smem:$0x3FB3] =	sst s7  }
0x10: {  	[smem:$0x3FB4] =	sst s8  }
0x11: {  	[smem:$0x3FB5] =	sst s9;
	s0 =	simm.s32 @!p0 $0x0  }
0x12: {  	s1 =	sld [smem:$0x3F9B];
	s0 =	simm.s32 @p0 $0x1  }
0x13: {  	[smem:$0x3FB6] =	sst s0;
	s0 =	simm.s32 @!p1 $0x0  }
0x14: {  	s2 =	sld [smem:$0x3F9A];
	s0 =	simm.s32 @p1 $0x1  }
0x15: {  	[smem:$0x3FB7] =	sst s0;
	s0 =	simm.s32 @!p2 $0x0  }
0x16: {  	s3 =	sld [smem:$0x3FDB];
	s0 =	simm.s32 @p2 $0x1  }
0x17: {  	s4 =	simm.s32 $0x1BF5;
	[smem:$0x3FB9] =	sst s0  }
0x18: {  	s0 =	sld [smem:$0x3F9C];
	_ =	swait.ge [sflag:s4], $0x0  }
0x19: {  	s7 =	sld [smem:$0x3F9D]  }
0x1a: {  	s8 =	sadd.s32 $0xFFFFE003, lr  }
0x1b: {  	s9 =	sadd.s32 $0xFFFFFEF7, lr;
	s5 =	simm.s32 $0xFFFFFFFF;
	p2 =	slt.u32 s8, $0xFFFFF086  }
0x1c: {  	p1 =	slt.u32 s9, $0xF7A;
	s5 =	simm.s32 @!p2 $0x0  }
0x1d: {  	s5 =	simm.s32 @p1 $0x1;
	p0 =	seq.s32 s7, s2  }
0x1e: {  	s7 =	smul.u32 @!p0 $0xF7A, s2;
	p2 =	seq.s32 @!p0 s5, $0x0  }
0x1f: {  	s9 =	smul.u32 $0xF7A, s1;
	s8 =	simm.s32 @!p0 $0x1BF5;
	p2 =	por !p2, p0  }
0x20: {  	[sflag:s8] =	ssyncset.s32 @!p0 $0xFFFFF086;
	s6 =	sadd.s32 @!p0 s3, s7;
	s7 =	simm.s32 @!p0 $0x108  }
0x21: {  	s3 =	sadd.s32 s3, s9;
	s6 =	sadd.s32 @!p0 $0x88, s6;
	s7 =	simm.s32 @p2 $0x1082  }
0x22: {  	[simem:s7], [sflag:s8] =	dma.local @!p0 [hbm:s6], $0xF7A  }
0x23: {  	s9 =	sor.u32 $0xD0000000, s2;
	s6 =	simm.s32 $0x108;
	_ =	swait.ge @!p0 [sflag:s8], $0x0  }
0x24: {  	s3 =	sadd.s32 $0x88, s3;
	s6 =	simm.s32 @!p1 $0x1082;
	[sflag:s4] =	ssyncset.s32 $0xFFFFF086  }
0x25: {  	[simem:s6], [sflag:s4] =	dma.local [hbm:s3], $0xF7A  }
0x26: {  	[smem:$0x3F9D] =	sst s1;
	(tag) =	ssettag s2;
	_ =	strace s9  }
0x27: {  	s1 =	sld [smem:$0x3FAD]  }
0x28: {  	s2 =	sld [smem:$0x3FAE]  }
0x29: {  	s4 =	sld [smem:$0x3FB0]  }
0x2a: {  	p0 =	seq.s32 s5, $0x0;
	s5 =	sld [smem:$0x3FB1]  }
0x2b: {  	s6 =	sld [smem:$0x3FB2]  }
0x2c: {  	s7 =	sld [smem:$0x3FB3]  }
0x2d: {  	s3 =	simm.s32 $0x108;
	s8 =	sld [smem:$0x3FB4]  }
0x2e: {  	s3 =	simm.s32 @!p0 $0x1082;
	s9 =	sld [smem:$0x3FB5]  }
0x2f: {  	lr =	sadd.s32 s0, s3;
	s0 =	sld [smem:$0x3FAC]  }
0x30: {  	s3 =	sld [smem:$0x3FAF]  }
0x31: {  	[smem:$0x3FB8] =	sst s10  }
0x32: {  	s10 =	sld [smem:$0x3FB6];
	_ =	sdelay $0x3  }
0x33: {  	p0 =	seq.s32 s10, $0x1;
	s10 =	sld [smem:$0x3FB8];
	_ =	sdelay $0x3  }
0x34: {  	[smem:$0x3FB8] =	sst s10  }
0x35: {  	s10 =	sld [smem:$0x3FB7];
	_ =	sdelay $0x3  }
0x36: {  	p1 =	seq.s32 s10, $0x1;
	s10 =	sld [smem:$0x3FB8];
	_ =	sdelay $0x3  }
0x37: {  	[smem:$0x3FB8] =	sst s10  }
0x38: {  	s10 =	sld [smem:$0x3FB9]  }
0x39: {  	_ = 	snop;
	(pc) =	sbr.ind lr, $3  }
0x3a: {  	_ = 	snop  }
0x3b: {  	_ = 	snop  }
0x3c: {  	p2 =	seq.s32 s10, $0x1;
	s10 =	sld [smem:$0x3FB8]  }
0x3d: {  	_ =	shalt  }
0x3e: {  	_ =	shalt  }
0x3f: {  	_ =	shalt  }
0x40: {  	_ =	shalt  }
0x41: {  	_ =	shalt  }
0x42: {  	_ =	shalt  }
0x43: {  	_ =	shalt  }
0x44: {  	_ =	shalt  }
0x45: {  	_ =	shalt  }
0x46: {  	_ =	shalt  }
0x47: {  	_ =	shalt  }
0x48: {  	_ =	shalt  }
0x49: {  	_ =	shalt  }
0x4a: {  	_ =	shalt  }
0x4b: {  	_ =	shalt  }
0x4c: {  	_ =	shalt  }
0x4d: {  	_ =	shalt  }
0x4e: {  	_ =	shalt  }
0x4f: {  	_ =	shalt  }
0x50: {  	_ =	shalt  }
0x51: {  	_ =	shalt  }
0x52: {  	_ =	shalt  }
0x53: {  	_ =	shalt  }
0x54: {  	_ =	shalt  }
0x55: {  	_ =	shalt  }
0x56: {  	_ =	shalt  }
0x57: {  	_ =	shalt  }
0x58: {  	_ =	shalt  }
0x59: {  	_ =	shalt  }
0x5a: {  	_ =	shalt  }
0x5b: {  	_ =	shalt  }
0x5c: {  	_ =	shalt  }
0x5d: {  	_ =	shalt  }
0x5e: {  	_ =	shalt  }
0x5f: {  	_ =	shalt  }
0x60: {  	_ =	shalt  }
0x61: {  	_ =	shalt  }
0x62: {  	_ =	shalt  }
0x63: {  	_ =	shalt  }
0x64: {  	_ =	shalt  }
0x65: {  	_ =	shalt  }
0x66: {  	_ =	shalt  }
0x67: {  	_ =	shalt  }
0x68: {  	_ =	shalt  }
0x69: {  	_ =	shalt  }
0x6a: {  	_ =	shalt  }
0x6b: {  	_ =	shalt  }
0x6c: {  	_ =	shalt  }
0x6d: {  	_ =	shalt  }
0x6e: {  	_ =	shalt  }
0x6f: {  	_ =	shalt  }
0x70: {  	_ =	shalt  }
0x71: {  	_ =	shalt  }
0x72: {  	_ =	shalt  }
0x73: {  	_ =	shalt  }
0x74: {  	_ =	shalt  }
0x75: {  	_ =	shalt  }
0x76: {  	_ =	shalt  }
0x77: {  	_ =	shalt  }
0x78: {  	_ =	shalt  }
0x79: {  	_ =	shalt  }
0x7a: {  	_ =	shalt  }
0x7b: {  	_ =	shalt  }
0x7c: {  	_ =	shalt  }
0x7d: {  	_ =	shalt  }
0x7e: {  	_ =	shalt  }
0x7f: {  	_ =	shalt  }
0x80: {  	_ =	shalt  }
0x81: {  	_ =	shalt  }
0x82: {  	_ =	shalt  }
0x83: {  	_ =	shalt  }
0x84: {  	_ =	shalt  }
0x85: {  	_ =	shalt  }
0x86: {  	_ =	shalt  }
0x87: {  	_ =	shalt  }
.Lfunc_end0:
.L_simem_size_0:
called_computation_lowered:
.L_overlay_start_0:
0x88: {  	s2 =	sld [smem:$0x3FD9]  }
0x89: {  	s3 =	sld [smem:$0x3FFE];
	_ =	sdelay $0x1  }
0x8a: {  	s1 =	srdreg.scid  }
0x8b: {  	s0 =	sand.u32 $0x1, s1  }
0x8c: {  	s17 =	sshll.u32 s0, $0xA;
	s2 =	sadd.s32 s3, s2  }
0x8d: {  	s2 =	sadd.s32 s2, s17  }
0x8e: {  	[smem:$0x3FC4] =	sst s2  }
0x8f: {  	_ = 	snop  }
0x90: {  	s2 =	sld [smem:$0x3FD0];
	(tm) =	ssettm $0x1  }
0x91: {  	s18 =	sld [smem:$0x3FFB];
	_ =	sdelay $0x3  }
0x92: {  	_ =	strace s18  }
0x93: {  	s3 =	sld [smem:$0x3FFC];
	_ =	sdelay $0x3  }
0x94: {  	_ =	strace s3  }
0x95: {  	s3 =	sld [smem:$0x3FFD];
	_ =	sdelay $0x3  }
0x96: {  	_ =	strace s3  }
0x97: {  	_ =	strace $0x8FFFFFFF  }
0x98: {  	s19 =	sld [smem:$0x3FDB];
	_ =	sdelay $0x1  }
0x99: {  	s4 =	simm.s32 $_scs_section_size  }
0x9a: {  	s5 =	simm.s32 $_size__tile_overlayer_lowered;
	s6 =	simm.s32 $_tile_overlayer_lowered  }
0x9b: {  	s22 =	simm.s32 $0x1BFF;
	s21 =	sshll.u32 s6, $0x1;
	s3 =	sadd.s32 s4, s19  }
0x9c: {  	s7 =	simm.s32 $0x0;
	s20 =	sshll.u32 s5, $0x1;
	s5 =	sadd.s32 s21, s3  }
0x9d: {  	[timem:s7], [sflag:s22] =	dma.local [hbm:s5], s20  }
0x9e: {  	_ =	swait.ge [sflag:s22], s20  }
0x9f: {  	s4 =	ssub.s32 $0x0, s20;
	[sflag:s22] =	ssyncset.done $0x0  }
0xa0: {  	[sflag:s22] =	ssyncadd.s32 s4;
	_ =	sdelay $0x1  }
0xa1: {  	s23 =	simm.s32 $0x1B8B  }
0xa2: {  	_ =	swait.ge [sflag:s23], $0x1  }
0xa3: {  	[sflag:s23] =	ssyncset.done $0x0  }
0xa4: {  	s25 =	simm.s32 $0x1B8E;
	s24 =	sld [smem:$0x3FFE];
	[sflag:s23] =	ssyncadd.s32 $0xFFFFFFFF  }
0xa5: {  	s26 =	simm.s32 $execute0_lowered;
	[smem:$0x3FD2] =	sst s25  }
0xa6: {  	s5 =	sshll.u32 s26, $0x1;
	_ =	strace $0x80000046;
	[dreg:$0x1] =	wrdreg $0xFFFFFFFF  }
0xa7: {  	s28 =	simm.s32 $_size_execute0_lowered;
	s3 =	sadd.s32 s3, s5;
	[dreg:$0x0] =	wrdreg $0x0  }
0xa8: {  	s5 =	sshll.u32 s28, $0x1;
	[dreg:$0x2] =	wrdreg s3  }
0xa9: {  	[dreg:$0x3] =	wrdreg s5  }
0xaa: {  	[dreg:$0x4] =	wrdreg $0xC0  }
0xab: {  	_ =	task [dreg:s7], $0x5FFFF  }
0xac: {  	[dreg:$0x1] =	wrdreg $0xFFFFFFFF  }
0xad: {  	[dreg:$0x0] =	wrdreg $0x60  }
0xae: {  	[dreg:$0x2] =	wrdreg s2  }
0xaf: {  	[dreg:$0x3] =	wrdreg s24  }
0xb0: {  	[dreg:$0x4] =	wrdreg $0x9  }
0xb1: {  	_ =	task.clear_ibuf [dreg:s7], $0x5FFFF;
	_ =	strace $0x90000046  }
0xb2: {  	s29 =	simm.s32 $0x9;
	_ =	strace $0x80000048  }
0xb3: {  	_ =	swait.ge [sflag:s29], $0x1  }
0xb4: {  	[sflag:s29] =	ssyncadd.s32 $0xFFFFFFFF  }
0xb5: {  	_ =	strace $0x90000048  }
0xb6: {  	_ =	sfence  }
0xb7: {  	s30 =	sld [smem:$0x0];
	_ =	sdelay $0x2  }
0xb8: {  	s31 =	sshll.u32 s1, $0xD;
	s1 =	sshrl.u32 s1, $0x2  }
0xb9: {  	s3 =	sand.u32 $0x4000, s31;
	s1 =	sadd.s32 s1, s30  }
0xba: {  	s0 =	sor.u32 s3, s0;
	s1 =	sshll.u32 s1, $0x11  }
0xbb: {  	s0 =	sor.u32 s1, s0  }
0xbc: {  	s0 =	sadd.s32 $0x8F2B, s0  }
0xbd: {  	[sflag:s0] =	ssyncadd.remote.s32 $0x1  }
0xbe: {  	_ =	sfence.sel $0xFFFF  }
0xbf: {  	[dreg:$0x0] =	wrdreg $0xFFFFFFFF;
	(pc) =	sbr.abs _section_cstart, $3  }
0xc0: {  	[dreg:$0x1] =	wrdreg $0xFFFFFFFF  }
0xc1: {  	_ =	task.clear_ibuf [dreg:s7], $0x2FFFF;
	_ =	strace $0x9FFFFFFF  }
0xc2: {  	(tm) =	ssettm $0x7FFFFFFF  }
0xc3: {  	_ =	shalt  }
tec
execute0_lowered:
.L_overlay_start_1:
0x0: {  	(tag) =	ssettag $0x1  }
0x1: {  	s3 =	rddreg [dreg:$0x0]  }
0x2: {  	s5 =	rddreg [dreg:$0x1];
	s2 =	srdreg.scid  }
0x3: {  	s0 =	rddreg [dreg:$0x2];
	s1 =	stileid.u32;
	s7 =	sand.u32 $0x1, s2  }
0x4: {  	s2 =	simm.s32 $0x0;
	s4 =	sshll.u32 s1, $0x4;
	s6 =	sshll.u32 s7, $0x3  }
0x5: {  	[smem:$0x7FF] =	sst s2;
	s6 =	sor.u32 s6, s4  }
0x6: {  	_ =	strace $0x80000047;
	s4 =	sadd.s32 s3, s6;
	s3 =	simm.s32 $0x1  }
0x7: {  	v0 =	vimm.s32 $0xBA98FEDC;
	v1 =	vimm.s32 $0x32107654;
	[tilespmem:s2], [sflag:$0x1] =	stream.linear.gather [hbm4b:s4+s2], $0x40, $0x38;
	[tilespmem:$0x100] =	vst v63  }
0x8: {  	v0 =	vunpack.c.l.s4.s8 v0;
	v1 =	vunpack.c.l.s4.s8 v1;
	_ =	swait.ge [sflag:s3], $0x40  }
0x9: {  	v4 =	vimm.s32 $0xEFCDAB89;
	[sflag:s3] =	ssyncset.done $0x0  }
0xa: {  	v5 =	vimm.s32 $0x67452301;
	v0 =	vunpack.c.0.s8.s32 v0;
	v1 =	vunpack.c.0.s8.s32 v1;
	[sflag:s3] =	ssyncadd.s32 $0xFFFFFFC0  }
0xb: {  	v2 =	vimm.s32 $0xDCFE98BA;
	v4 =	vunpack.c.l.s4.s8 v4;
	v5 =	vunpack.c.l.s4.s8 v5;
	v6 =	vld [tilespmem:$0x30]  }
0xc: {  	v2 =	vunpack.c.l.s4.s8 v2;
	v0 =	vcombine.low v1, v0;
	v1 =	vimm.s32 $0x54761032;
	v7 =	vld [tilespmem:$0x20]  }
0xd: {  	v4 =	vunpack.c.0.s8.s32 v4;
	v10 =	vunpack.c.0.s8.s32 v5;
	v3 =	vunpack.c.l.s4.s8 v1;
	v9 =	vld [tilespmem:$0x0]  }
0xe: {  	v8 =	vunpack.c.0.s8.s32 v2;
	v1 =	vand.u32 $0xF, v0;
	v0 =	vlaneseq.u32;
	v5 =	vld [tilespmem:$0x10]  }
0xf: {  	v4 =	vcombine.low v10, v4;
	v3 =	vunpack.c.0.s8.s32 v3;
	v0 =	vand.u32 $0x7, v0  }
0x10: {  	v2 =	vperm.xlane v0, v1  }
0x11: {  	v4 =	vand.u32 $0xF, v4;
	v3 =	vcombine.low v3, v8;
	v8 =	vperm.xlane v6, v1  }
0x12: {  	vm0 =	vlt.s32 v2, v0;
	v10 =	vperm.xlane v7, v1;
	v11 =	vperm.xlane v9, v1  }
0x13: {  	v3 =	vand.u32 $0xF, v3;
	v12 =	vperm.xlane v5, v1;
	vm1 =	vgt.f32 v8, v6  }
0x14: {  	vm2 =	veq.f32 v8, v6;
	vm3 =	vgt.f32 v10, v7;
	vm4 =	veq.f32 v11, v9  }
0x15: {  	vm5 =	veq.f32 v10, v7;
	vm7 =	vgt.f32 v11, v9;
	vm2 =	vmand vm0, vm2  }
0x16: {  	vm5 =	vmand vm0, vm5;
	vm4 =	vmand vm4, vm0;
	vm6 =	vmor vm1, vm2  }
0x17: {  	vm1 =	veq.f32 v12, v5;
	vm2 =	vgt.f32 v12, v5;
	vm3 =	vmor vm3, vm5  }
0x18: {  	v8 =	vsel vm6, v8, v6;
	v13 =	vsel vm6, v2, v0;
	v10 =	vsel vm3, v10, v7  }
0x19: {  	v15 =	vsel vm3, v2, v0;
	vm3 =	vmor vm7, vm4;
	vm1 =	vmand vm0, vm1  }
0x1a: {  	v14 =	vperm.xlane v8, v3;
	v16 =	vperm.xlane v13, v3;
	v11 =	vsel vm3, v11, v9  }
0x1b: {  	v17 =	vperm.xlane v10, v3;
	v18 =	vsel vm3, v2, v0;
	v19 =	vperm.xlane v15, v3  }
0x1c: {  	vm1 =	vmor vm2, vm1;
	v20 =	vperm.xlane v11, v3;
	v21 =	vperm.xlane v18, v3  }
0x1d: {  	v12 =	vsel vm1, v12, v5;
	v22 =	vsel vm1, v2, v0;
	vm4 =	vgt.f32 v14, v8  }
0x1e: {  	vm5 =	veq.f32 v14, v8;
	vm6 =	vlt.s32 v16, v13;
	vm7 =	vlt.s32 v19, v15  }
0x1f: {  	v46 =	vperm.xlane v22, v3;
	v47 =	vperm.xlane v12, v3;
	vm3 =	vmand vm5, vm6  }
0x20: {  	vm5 =	vgt.f32 v17, v10;
	vm6 =	veq.f32 v17, v10;
	vm8 =	vlt.s32 v21, v18  }
0x21: {  	vm3 =	vmor vm4, vm3;
	vm4 =	vgt.f32 v20, v11;
	vm6 =	vmand vm6, vm7  }
0x22: {  	v8 =	vsel vm3, v14, v8;
	v13 =	vsel vm3, v16, v13;
	vm3 =	vmor vm5, vm6  }
0x23: {  	vm7 =	veq.f32 v20, v11;
	v14 =	vperm.xlane v8, v4;
	v10 =	vsel vm3, v17, v10  }
0x24: {  	v15 =	vsel vm3, v19, v15;
	v16 =	vperm.xlane v13, v4;
	vm3 =	vmand vm7, vm8  }
0x25: {  	v17 =	vperm.xlane v10, v4;
	v19 =	vperm.xlane v15, v4;
	vm3 =	vmor vm4, vm3  }
0x26: {  	vm5 =	vgt.f32 v14, v8;
	vm4 =	veq.f32 v14, v8;
	vm6 =	vlt.s32 v16, v13  }
0x27: {  	v11 =	vsel vm3, v20, v11;
	v18 =	vsel vm3, v21, v18;
	vm2 =	vgt.f32 v17, v10  }
0x28: {  	vm7 =	vlt.s32 v19, v15;
	vm4 =	vmand vm4, vm6;
	vm1 =	veq.f32 v17, v10  }
0x29: {  	v48 =	vperm.xlane v18, v4;
	v23 =	vperm.xlane v11, v4;
	vm5 =	vmor vm5, vm4  }
0x2a: {  	vm1 =	vmand vm1, vm7;
	vm7 =	vlt.s32 v46, v22;
	v13 =	vsel vm5, v16, v13  }
0x2b: {  	vm4 =	vmor vm2, vm1;
	vm2 =	vgt.f32 v47, v12;
	vm6 =	vlt.s32 v48, v18  }
0x2c: {  	vm8 =	vgt.f32 v23, v11;
	vm9 =	veq.f32 v23, v11;
	v14 =	vsel vm5, v14, v8  }
0x2d: {  	v15 =	vsel vm4, v19, v15;
	vm1 =	veq.s32 v13, v0;
	vm6 =	vmand vm9, vm6  }
0x2e: {  	vm9 =	veq.f32 v47, v12;
	v10 =	vsel vm4, v17, v10;
	vm3 =	veq.s32 v15, v0  }
0x2f: {  	v6 =	vsel vm1, $0xFF61B1E6, v6;
	vm6 =	vmor vm8, vm6;
	vm7 =	vmand vm9, vm7  }
0x30: {  	v7 =	vsel vm3, $0xFF61B1E6, v7;
	v15 =	vsel vm6, v48, v18;
	vm7 =	vmor vm2, vm7  }
0x31: {  	v49 =	vperm.xlane v6, v1;
	v11 =	vsel vm6, v23, v11;
	v13 =	vperm.xlane v7, v1  }
0x32: {  	vm2 =	veq.s32 v15, v0;
	v12 =	vsel vm7, v47, v12;
	v15 =	vsel vm7, v46, v22  }
0x33: {  	v50 =	vperm.xlane v12, v4;
	vm7 =	vgt.f32 v49, v6;
	v51 =	vperm.xlane v15, v4  }
0x34: {  	v9 =	vsel vm2, $0xFF61B1E6, v9;
	vm10 =	veq.f32 v49, v6;
	vm8 =	veq.f32 v13, v7  }
0x35: {  	vm6 =	vgt.f32 v13, v7;
	v8 =	vperm.xlane v9, v1;
	vm8 =	vmand vm0, vm8  }
0x36: {  	vm9 =	veq.f32 v50, v12;
	vm5 =	vlt.s32 v51, v15;
	vm6 =	vmor vm6, vm8  }
0x37: {  	vm8 =	vgt.f32 v50, v12;
	vm5 =	vmand vm9, vm5;
	vm4 =	veq.f32 v8, v9  }
0x38: {  	vm12 =	vgt.f32 v8, v9;
	v7 =	vsel vm6, v13, v7;
	v13 =	vsel vm6, v2, v0  }
0x39: {  	vm6 =	vmor vm8, vm5;
	vm5 =	vmand vm0, vm4;
	v52 =	vperm.xlane v7, v3  }
0x3a: {  	v53 =	vperm.xlane v13, v3;
	v15 =	vsel vm6, v51, v15;
	vm5 =	vmor vm12, vm5  }
0x3b: {  	v60 =	vsel vm6, v50, v12;
	vm4 =	veq.s32 v15, v0;
	v54 =	vsel vm5, v2, v0  }
0x3c: {  	v8 =	vsel vm5, v8, v9;
	vm9 =	veq.f32 v52, v7;
	vm11 =	vlt.s32 v53, v13  }
0x3d: {  	vm8 =	vgt.f32 v52, v7;
	v5 =	vsel vm4, $0xFF61B1E6, v5;
	vm9 =	vmand vm9, vm11  }
0x3e: {  	v56 =	vperm.xlane v54, v3;
	v15 =	vperm.xlane v5, v1;
	vm8 =	vmor vm8, vm9  }
0x3f: {  	vm9 =	vmand vm0, vm10;
	v7 =	vsel vm8, v52, v7;
	v17 =	vsel vm8, v53, v13  }
0x40: {  	vm5 =	veq.f32 v15, v5;
	v13 =	vperm.xlane v8, v3;
	vm7 =	vmor vm7, vm9  }
0x41: {  	vm8 =	vgt.f32 v15, v5;
	v9 =	vperm.xlane v7, v4;
	vm5 =	vmand vm0, vm5  }
0x42: {  	v55 =	vperm.xlane v17, v4;
	v6 =	vsel vm7, v49, v6;
	v57 =	vsel vm7, v2, v0  }
0x43: {  	vm10 =	vgt.f32 v13, v8;
	vm7 =	veq.f32 v13, v8;
	v58 =	vperm.xlane v6, v3  }
0x44: {  	vm8 =	vmor vm8, vm5;
	vm9 =	veq.f32 v9, v7;
	vm12 =	vlt.s32 v55, v17  }
0x45: {  	vm11 =	vgt.f32 v9, v7;
	v15 =	vsel vm8, v15, v5;
	vm9 =	vmand vm9, vm12  }
0x46: {  	vm5 =	vmor vm11, vm9;
	vm9 =	vlt.s32 v56, v54;
	vm11 =	veq.f32 v58, v6  }
0x47: {  	v5 =	vsel vm5, v9, v7;
	vm7 =	vmand vm7, vm9;
	v7 =	vperm.xlane v15, v3  }
0x48: {  	v9 =	vperm.xlane v57, v3;
	v5 =	vsub.f32 v5, v10;
	vm7 =	vmor vm10, vm7  }
0x49: {  	vm9 =	vgt.f32 v58, v6;
	v10 =	vsel vm8, v2, v0;
	v13 =	vsel vm7, v13, v8  }
0x4a: {  	vm10 =	vlt.s32 v9, v57;
	v59 =	vperm.xlane v10, v3;
	v5 =	vmul.f32 $1.442695020e+00, v5  }
0x4b: {  	vm8 =	vgt.f32 v7, v15;
	vm12 =	veq.f32 v7, v15;
	vm10 =	vmand vm11, vm10  }
0x4c: {  	v62 =	vperm.xlane v13, v4;
	vm6 =	vlt.s32 v59, v10;
	(erf) = vpow2.f32 v5  }
0x4d: {  	v5 =	vsel vm7, v56, v54;
	vm7 =	vmor vm9, vm10;
	vm6 =	vmand vm12, vm6  }
0x4e: {  	v6 =	vsel vm7, v58, v6;
	v61 =	vsel vm7, v9, v57;
	v8 =	vperm.xlane v5, v4  }
0x4f: {  	vm6 =	vmor vm8, vm6;
	vm8 =	vgt.f32 v62, v13;
	v12 =	vperm.xlane v6, v4  }
0x50: {  	s7 =	ssub.s32 $0x2, s7;
	v7 =	vsel vm6, v7, v15;
	v15 =	vperm.xlane v61, v4;
	v9 =	vsel vm6, v59, v10  }
0x51: {  	s8 =	sshrl.u32 s7, $0x1;
	vm6 =	veq.f32 v62, v13;
	v63 =	vperm.xlane v7, v4;
	v10 =	vperm.xlane v9, v4  }
0x52: {  	s7 =	ssub.s32 s7, s8;
	vm10 =	vlt.s32 v8, v5;
	vm7 =	veq.f32 v12, v6;
	vm12 =	vlt.s32 v15, v61  }
0x53: {  	s7 =	smax.u32 s7, $0x1;
	vm9 =	vgt.f32 v12, v6;
	vm6 =	vmand vm6, vm10;
	vm7 =	vmand vm7, vm12  }
0x54: {  	p0 =	sne.s32 s7, $0x1;
	vm11 =	veq.f32 v63, v7;
	vm10 =	vlt.s32 v10, v9;
	vm9 =	vmor vm9, vm7  }
.Ltmp0:
0x55: {  	vm12 =	vgt.f32 v63, v7;
	vm10 =	vmand vm11, vm10;
	v6 =	vsel vm9, v12, v6;
	(pc) =	sbr.rel @!p0 .LBB2_2-.Ltmp0, $4  }
0x56: {  	vm8 =	vmor vm8, vm6;
	vm7 =	vmor vm12, vm10  }
0x57: {  	v12 =	vsel vm8, v62, v13;
	v7 =	vsel vm7, v63, v7;
	v14 =	vsub.f32 v6, v14  }
0x58: {  	s5 =	sadd.s32 s6, s5;
	v12 =	vsub.f32 v12, v11;
	v13 =	vsub.f32 v7, v60;
	v7 =	vsel vm5, v55, v17;
	v6 =	vpop (erf)  }
0x59: {  	s6 =	simm.s32 $0x80;
	s5 =	sadd.s32 $0x600, s5;
	s7 =	sadd.s32 $0xFFFFFFFF, s7;
	v14 =	vmul.f32 $1.442695020e+00, v14;
	v11 =	vadd.f32 $1.000000000e+00, v6;
	v6 =	vsel vm9, v15, v61  }
.LBB2_1:
0x5a: {  	p0 =	sne.s32 s7, $0x1;
	s7 =	sadd.s32 $0xFFFFFFFF, s7;
	v5 =	vsel vm8, v8, v5;
	v8 =	vsel vm7, v10, v9;
	v9 =	vmul.f32 $1.442695020e+00, v13  }
0x5b: {  	v10 =	vmul.f32 $1.442695020e+00, v12;
	(erf) = vpow2.f32 v14  }
0x5c: {  	(erf) = vpow2.f32 v9  }
0x5d: {  	(erf) = vpow2.f32 v10  }
0x5e: {  	(erf) = vrcp.f32 v11;
	_ =	sdelay $0x3  }
0x5f: {  	vm5 =	veq.s32 v7, v0;
	_ =	sdelay $0x1  }
0x60: {  	v7 =	vpop (erf)  }
0x61: {  	v7 =	vadd.f32 $1.000000000e+00, v7;
	v9 =	vpop (erf)  }
0x62: {  	v9 =	vadd.f32 $1.000000000e+00, v9;
	v10 =	vpop (erf)  }
0x63: {  	v10 =	vadd.f32 $1.000000000e+00, v10;
	v11 =	vpop (erf);
	(erf) = vrcp.f32 v7  }
0x64: {  	v7 =	vsub.f32 $1.000000000e+00, v11;
	v11 =	vnsel vm3, $0x0, v11;
	(erf) = vrcp.f32 v9  }
0x65: {  	(erf) = vrcp.f32 v10  }
0x66: {  	v7 =	vnsel vm5, $0x0, v7  }
0x67: {  	v7 =	vadd.f32 v7, v11;
	_ =	sdelay $0x1  }
0x68: {  	[tilespmem:$0xA0] =	vst v7;
	_ =	sdelay $0x2  }
0x69: {  	v7 =	vpop (erf)  }
0x6a: {  	vm3 =	veq.s32 v8, v0;
	v8 =	vsub.f32 $1.000000000e+00, v7;
	v7 =	vnsel vm1, $0x0, v7;
	v9 =	vpop (erf)  }
0x6b: {  	vm1 =	veq.s32 v6, v0;
	v10 =	vsub.f32 $1.000000000e+00, v9;
	v9 =	vnsel vm4, $0x0, v9;
	v6 =	vpop (erf)  }
0x6c: {  	v11 =	vsub.f32 $1.000000000e+00, v6;
	v6 =	vnsel vm2, $0x0, v6;
	v8 =	vnsel vm1, $0x0, v8  }
0x6d: {  	vm1 =	veq.s32 v5, v0;
	v5 =	vnsel vm3, $0x0, v10;
	v7 =	vadd.f32 v8, v7  }
0x6e: {  	v8 =	vnsel vm1, $0x0, v11;
	v5 =	vadd.f32 v5, v9  }
0x6f: {  	v6 =	vadd.f32 v8, v6;
	[tilespmem:$0xB0] =	vst v7  }
0x70: {  	[tilespmem:$0x90] =	vst v5  }
0x71: {  	[tilespmem:$0x80] =	vst v6  }
0x72: {  	[hbm4b:s5+s2] =	stream.linear.scatter [tilespmem:s6], [sflag:$0x1], $0x40, $0x38;
	[tilespmem:$0x100] =	vst v63  }
0x73: {  	_ =	swait.ge [sflag:s3], $0x40  }
0x74: {  	[sflag:s3] =	ssyncset.done $0x0  }
0x75: {  	[sflag:s3] =	ssyncadd.s32 $0xFFFFFFC0;
	_ =	sdelay $0x4  }
0x76: {  	[tilespmem:s2], [sflag:$0x1] =	stream.linear.gather [hbm4b:s4+s2], $0x40, $0x38;
	[tilespmem:$0x100] =	vst v63  }
0x77: {  	_ =	swait.ge [sflag:s3], $0x40  }
0x78: {  	[sflag:s3] =	ssyncset.done $0x0  }
0x79: {  	[sflag:s3] =	ssyncadd.s32 $0xFFFFFFC0  }
0x7a: {  	v6 =	vld [tilespmem:$0x30]  }
0x7b: {  	v8 =	vld [tilespmem:$0x20]  }
0x7c: {  	v7 =	vld [tilespmem:$0x0]  }
0x7d: {  	v5 =	vld [tilespmem:$0x10];
	_ =	sdelay $0x1  }
0x7e: {  	v9 =	vperm.xlane v6, v1  }
0x7f: {  	v10 =	vperm.xlane v8, v1  }
0x80: {  	v11 =	vperm.xlane v7, v1;
	vm1 =	vgt.f32 v9, v6;
	vm2 =	veq.f32 v9, v6  }
0x81: {  	v12 =	vperm.xlane v5, v1;
	vm3 =	vgt.f32 v10, v8;
	vm2 =	vmand vm0, vm2  }
0x82: {  	vm5 =	veq.f32 v10, v8;
	vm4 =	veq.f32 v11, v7;
	vm6 =	vmor vm1, vm2  }
0x83: {  	vm5 =	vmand vm0, vm5;
	vm1 =	veq.f32 v12, v5;
	v9 =	vsel vm6, v9, v6  }
0x84: {  	vm7 =	vgt.f32 v11, v7;
	vm2 =	vgt.f32 v12, v5;
	v13 =	vsel vm6, v2, v0  }
0x85: {  	vm4 =	vmand vm4, vm0;
	vm3 =	vmor vm3, vm5;
	v14 =	vperm.xlane v9, v3  }
0x86: {  	v10 =	vsel vm3, v10, v8;
	v15 =	vsel vm3, v2, v0;
	v16 =	vperm.xlane v13, v3  }
0x87: {  	vm3 =	vmor vm7, vm4;
	vm4 =	vgt.f32 v14, v9;
	vm5 =	veq.f32 v14, v9  }
0x88: {  	v11 =	vsel vm3, v11, v7;
	v17 =	vperm.xlane v10, v3;
	vm6 =	vlt.s32 v16, v13  }
0x89: {  	v18 =	vsel vm3, v2, v0;
	v19 =	vperm.xlane v15, v3;
	vm3 =	vmand vm5, vm6  }
0x8a: {  	v20 =	vperm.xlane v11, v3;
	vm5 =	vgt.f32 v17, v10;
	vm3 =	vmor vm4, vm3  }
0x8b: {  	v21 =	vperm.xlane v18, v3;
	vm6 =	vlt.s32 v19, v15;
	vm4 =	veq.f32 v17, v10  }
0x8c: {  	vm7 =	vgt.f32 v20, v11;
	vm4 =	vmand vm4, vm6;
	v9 =	vsel vm3, v14, v9  }
0x8d: {  	vm8 =	vlt.s32 v21, v18;
	vm6 =	veq.f32 v20, v11;
	v13 =	vsel vm3, v16, v13  }
0x8e: {  	vm3 =	vmand vm6, vm8;
	vm4 =	vmor vm5, vm4;
	v14 =	vperm.xlane v9, v4  }
0x8f: {  	v16 =	vperm.xlane v13, v4;
	v10 =	vsel vm4, v17, v10;
	v15 =	vsel vm4, v19, v15  }
0x90: {  	v17 =	vperm.xlane v10, v4;
	v19 =	vperm.xlane v15, v4;
	vm4 =	vgt.f32 v14, v9  }
0x91: {  	vm1 =	vmand vm0, vm1;
	vm3 =	vmor vm7, vm3;
	vm5 =	veq.f32 v14, v9  }
0x92: {  	vm1 =	vmor vm2, vm1;
	vm6 =	vlt.s32 v16, v13;
	vm2 =	vgt.f32 v17, v10  }
0x93: {  	v12 =	vsel vm1, v12, v5;
	vm5 =	vmand vm5, vm6;
	vm7 =	vlt.s32 v19, v15  }
0x94: {  	v22 =	vsel vm1, v2, v0;
	vm1 =	veq.f32 v17, v10;
	vm4 =	vmor vm4, vm5  }
0x95: {  	v11 =	vsel vm3, v20, v11;
	v20 =	vperm.xlane v22, v3;
	v13 =	vsel vm4, v16, v13  }
0x96: {  	v16 =	vsel vm3, v21, v18;
	v18 =	vperm.xlane v12, v3;
	vm1 =	vmand vm1, vm7  }
0x97: {  	v21 =	vperm.xlane v11, v4;
	v23 =	vperm.xlane v16, v4;
	vm7 =	vmor vm2, vm1  }
0x98: {  	vm1 =	veq.s32 v13, v0;
	vm2 =	vgt.f32 v18, v12;
	v15 =	vsel vm7, v19, v15  }
0x99: {  	vm6 =	vlt.s32 v20, v22;
	vm5 =	vlt.s32 v23, v16;
	vm3 =	veq.s32 v15, v0  }
0x9a: {  	vm8 =	vgt.f32 v21, v11;
	vm9 =	veq.f32 v21, v11;
	v13 =	vsel vm1, $0xFF61B1E6, v6  }
0x9b: {  	vm5 =	vmand vm9, vm5;
	vm9 =	veq.f32 v18, v12;
	v8 =	vsel vm3, $0xFF61B1E6, v8  }
0x9c: {  	vm5 =	vmor vm8, vm5;
	vm6 =	vmand vm9, vm6;
	v15 =	vperm.xlane v8, v1  }
0x9d: {  	v6 =	vsel vm5, v23, v16;
	vm6 =	vmor vm2, vm6;
	v16 =	vperm.xlane v13, v1  }
0x9e: {  	vm2 =	veq.s32 v6, v0;
	v12 =	vsel vm6, v18, v12;
	vm8 =	veq.f32 v15, v8  }
0x9f: {  	v18 =	vsel vm6, v20, v22;
	v19 =	vperm.xlane v12, v4;
	vm6 =	vgt.f32 v16, v13  }
0xa0: {  	v6 =	vsel vm5, v21, v11;
	vm5 =	vgt.f32 v15, v8;
	vm8 =	vmand vm0, vm8  }
0xa1: {  	v11 =	vperm.xlane v18, v4;
	vm5 =	vmor vm5, vm8;
	vm9 =	veq.f32 v19, v12  }
0xa2: {  	v20 =	vsel vm2, $0xFF61B1E6, v7;
	v7 =	vsel vm4, v14, v9;
	vm8 =	vgt.f32 v19, v12  }
0xa3: {  	vm10 =	veq.f32 v16, v13;
	vm4 =	vlt.s32 v11, v18;
	v8 =	vsel vm5, v15, v8  }
0xa4: {  	v9 =	vperm.xlane v20, v1;
	v14 =	vsel vm5, v2, v0;
	vm4 =	vmand vm9, vm4  }
0xa5: {  	v10 =	vsel vm7, v17, v10;
	v15 =	vperm.xlane v8, v3;
	vm5 =	vmor vm8, vm4  }
0xa6: {  	v17 =	vperm.xlane v14, v3;
	vm4 =	veq.f32 v9, v20;
	v11 =	vsel vm5, v11, v18  }
0xa7: {  	vm7 =	vmand vm0, vm4;
	vm8 =	vgt.f32 v15, v8;
	vm9 =	veq.f32 v15, v8  }
0xa8: {  	vm10 =	vmand vm0, vm10;
	vm11 =	vlt.s32 v17, v14;
	vm4 =	veq.s32 v11, v0  }
0xa9: {  	vm12 =	vgt.f32 v9, v20;
	vm9 =	vmand vm9, vm11;
	v5 =	vsel vm4, $0xFF61B1E6, v5  }
0xaa: {  	vm7 =	vmor vm12, vm7;
	vm8 =	vmor vm8, vm9;
	v11 =	vperm.xlane v5, v1  }
0xab: {  	v18 =	vsel vm7, v2, v0;
	v8 =	vsel vm8, v15, v8;
	v14 =	vsel vm8, v17, v14  }
0xac: {  	v9 =	vsel vm7, v9, v20;
	v15 =	vperm.xlane v8, v4;
	vm7 =	veq.f32 v11, v5  }
0xad: {  	vm6 =	vmor vm6, vm10;
	v17 =	vperm.xlane v9, v3;
	vm7 =	vmand vm0, vm7  }
0xae: {  	v20 =	vperm.xlane v14, v4;
	vm8 =	vgt.f32 v11, v5;
	vm9 =	veq.f32 v15, v8  }
0xaf: {  	v13 =	vsel vm6, v16, v13;
	vm10 =	vgt.f32 v17, v9;
	vm11 =	vgt.f32 v15, v8  }
0xb0: {  	v21 =	vsel vm6, v2, v0;
	v16 =	vperm.xlane v18, v3;
	vm12 =	vlt.s32 v20, v14  }
0xb1: {  	v22 =	vperm.xlane v13, v3;
	vm13 =	veq.f32 v17, v9;
	vm6 =	vmand vm9, vm12  }
0xb2: {  	vm9 =	vlt.s32 v16, v18;
	vm7 =	vmor vm8, vm7;
	vm6 =	vmor vm11, vm6  }
0xb3: {  	vm8 =	veq.f32 v22, v13;
	v11 =	vsel vm7, v11, v5;
	v5 =	vsel vm6, v15, v8  }
0xb4: {  	vm9 =	vmand vm13, vm9;
	v15 =	vperm.xlane v11, v3;
	v5 =	vsub.f32 v5, v10  }
0xb5: {  	vm9 =	vmor vm10, vm9;
	v8 =	vperm.xlane v21, v3;
	vm10 =	vgt.f32 v22, v13  }
0xb6: {  	v17 =	vsel vm9, v17, v9;
	v9 =	vsel vm7, v2, v0;
	v5 =	vmul.f32 $1.442695020e+00, v5  }
0xb7: {  	vm7 =	vgt.f32 v15, v11;
	vm11 =	veq.f32 v15, v11;
	vm12 =	vlt.s32 v8, v21  }
0xb8: {  	v10 =	vperm.xlane v9, v3;
	vm8 =	vmand vm8, vm12;
	(erf) = vpow2.f32 v5  }
0xb9: {  	v5 =	vsel vm9, v16, v18;
	v16 =	vsel vm5, v19, v12;
	vm5 =	vmor vm10, vm8  }
0xba: {  	vm8 =	vlt.s32 v10, v9;
	v12 =	vsel vm5, v22, v13;
	v18 =	vsel vm5, v8, v21  }
0xbb: {  	v8 =	vperm.xlane v5, v4;
	vm5 =	vmand vm11, vm8;
	v13 =	vperm.xlane v12, v4  }
0xbc: {  	v19 =	vperm.xlane v17, v4;
	vm5 =	vmor vm7, vm5  }
0xbd: {  	v11 =	vsel vm5, v15, v11;
	v15 =	vperm.xlane v18, v4;
	vm7 =	veq.f32 v13, v12  }
0xbe: {  	vm8 =	vgt.f32 v19, v17;
	v9 =	vsel vm5, v10, v9;
	v21 =	vperm.xlane v11, v4  }
0xbf: {  	vm5 =	veq.f32 v19, v17;
	v10 =	vperm.xlane v9, v4;
	vm9 =	vgt.f32 v13, v12  }
0xc0: {  	vm10 =	vlt.s32 v8, v5;
	vm12 =	vlt.s32 v15, v18;
	vm11 =	veq.f32 v21, v11  }
0xc1: {  	vm5 =	vmand vm5, vm10;
	vm10 =	vlt.s32 v10, v9;
	vm7 =	vmand vm7, vm12;
	v22 =	vpop (erf)  }
.Ltmp1:
0xc2: {  	vm12 =	vgt.f32 v21, v11;
	vm10 =	vmand vm11, vm10;
	vm9 =	vmor vm9, vm7;
	(pc) =	sbr.rel @p0 .LBB2_1-.Ltmp1, $4  }
0xc3: {  	vm8 =	vmor vm8, vm5;
	vm7 =	vmor vm12, vm10;
	v12 =	vsel vm9, v13, v12  }
0xc4: {  	v13 =	vsel vm8, v19, v17;
	v11 =	vsel vm7, v21, v11;
	v17 =	vsub.f32 v12, v7  }
0xc5: {  	v12 =	vsub.f32 v13, v6;
	v7 =	vsel vm6, v20, v14;
	v13 =	vsub.f32 v11, v16  }
0xc6: {  	v6 =	vsel vm9, v15, v18;
	v11 =	vadd.f32 $1.000000000e+00, v22;
	v14 =	vmul.f32 $1.442695020e+00, v17  }
.LBB2_2:
0xc7: {  	v1 =	vmul.f32 $1.442695020e+00, v13  }
0xc8: {  	v2 =	vmul.f32 $1.442695020e+00, v12;
	(erf) = vpow2.f32 v14  }
0xc9: {  	(erf) = vpow2.f32 v1  }
0xca: {  	(erf) = vpow2.f32 v2;
	_ =	sdelay $0x6  }
0xcb: {  	v51 =	vpop (erf)  }
0xcc: {  	(erf) = vrcp.f32 v11;
	v1 =	vadd.f32 $1.000000000e+00, v51;
	v52 =	vpop (erf)  }
0xcd: {  	v2 =	vadd.f32 $1.000000000e+00, v52;
	v3 =	vpop (erf)  }
0xce: {  	v3 =	vadd.f32 $1.000000000e+00, v3;
	(erf) = vrcp.f32 v1  }
0xcf: {  	(erf) = vrcp.f32 v2  }
0xd0: {  	(erf) = vrcp.f32 v3;
	_ =	sdelay $0x4  }
0xd1: {  	v53 =	vpop (erf)  }
0xd2: {  	v55 =	vsel vm8, v8, v5;
	v4 =	vsel vm7, v10, v9;
	v54 =	vsub.f32 $1.000000000e+00, v53  }
0xd3: {  	vm0 =	veq.s32 v7, v0;
	vm14 =	veq.s32 v6, v0;
	vm13 =	veq.s32 v4, v0;
	v56 =	vpop (erf)  }
0xd4: {  	v1 =	vnsel vm3, $0x0, v53;
	v2 =	vnsel vm0, $0x0, v54;
	v57 =	vsub.f32 $1.000000000e+00, v56;
	v58 =	vpop (erf)  }
0xd5: {  	vm15 =	veq.s32 v55, v0;
	v1 =	vadd.f32 v2, v1;
	v59 =	vsub.f32 $1.000000000e+00, v58;
	v60 =	vpop (erf)  }
0xd6: {  	v5 =	vnsel vm1, $0x0, v56;
	v61 =	vsub.f32 $1.000000000e+00, v60;
	v2 =	vnsel vm14, $0x0, v57  }
0xd7: {  	v4 =	vnsel vm4, $0x0, v58;
	v62 =	vnsel vm13, $0x0, v59;
	v2 =	vadd.f32 v2, v5  }
0xd8: {  	[tilespmem:$0xA0] =	vst v1;
	v63 =	vnsel vm2, $0x0, v60;
	v3 =	vnsel vm15, $0x0, v61;
	v0 =	vadd.f32 v62, v4  }
0xd9: {  	v1 =	vadd.f32 v3, v63;
	[tilespmem:$0xB0] =	vst v2  }
0xda: {  	[tilespmem:$0x90] =	vst v0  }
0xdb: {  	[tilespmem:$0x80] =	vst v1  }
0xdc: {  	[hbm4b:s5+s2] =	stream.linear.scatter [tilespmem:s6], [sflag:$0x1], $0x40, $0x38;
	[tilespmem:$0x100] =	vst v63  }
0xdd: {  	_ =	swait.ge [sflag:s3], $0x40  }
0xde: {  	[sflag:s3] =	ssyncset.done $0x0  }
0xdf: {  	[sflag:s3] =	ssyncadd.s32 $0xFFFFFFC0  }
0xe0: {  	_ =	sfence.sel $0x180000  }
0xe1: {  	[bflag:$0x0] =	sbarrier.arrive $0xFFFF  }
0xe2: {  	p0 =	sne.s32 s1, $0x0;
	_ =	strace $0x90000047  }
0xe3: {  	s0 =	sadd.s32 @!p0 $0x100000, s0;
	[bflag:$0x2] =	sbarrier.arrive $0xFFFF  }
0xe4: {  	[sflag:s0] =	ssyncadd.tile.s32 @!p0 $0x1;
	_ =	shalt  }
.Lfunc_end2:
_tile_overlayer_lowered:
.L_overlay_start_2:
0xe5: {  	(tag) =	ssettag $0x2  }
0xe6: {  	s0 =	rddreg [dreg:$0x0];
	s2 =	stileid.u32  }
0xe7: {  	s1 =	rddreg [dreg:$0x1];
	p0 =	sne.s32 s2, $0x0  }
0xe8: {  	s3 =	rddreg [dreg:$0x2];
	[bflag:$0x3] =	sbarrier.arrive $0xFFFF;
	s2 =	simm.s32 @!p0 $0x1C01  }
0xe9: {  	[timem:s3], [sflag:s2] =	dma.local @!p0 [hbm:s0], s1  }
0xea: {  	s0 =	simm.s32 @!p0 $0x1  }
0xeb: {  	_ =	swait.ge @!p0 [sflag:s0], s1  }
0xec: {  	s1 =	ssub.s32 @!p0 $0x0, s1;
	[sflag:s0] =	ssyncset.done @!p0 $0x0  }
0xed: {  	[sflag:s0] =	ssyncadd.s32 @!p0 s1  }
0xee: {  	[bflag:$0x3] =	sbarrier.arrive $0xFFFF  }
0xef: {  	_ =	shalt  }

</sc_bundles>
